<compile_context>
chip_gen: v7x
topology: tpu7x:2x2x1
jax: 0.10.2.dev20260603
libtpu: 0.0.44.dev20260713+nightly
codegen_flags: <defaults>
</compile_context>

<pallas_src>
import functools

import jax
import jax.numpy as jnp
from jax import lax
from jax.experimental import pallas as pl
from jax.experimental.pallas import tpu as pltpu
from jax.experimental.pallas import tpu_sc as plsc

DMODEL = 1024
DQK = 64
DV = 64
HEADS = 16
FF = 2048
NB = 64
PEN = 100000.0
D = 2
N = 4096
H = DMODEL // 2
CH = 128
NBLK = D * N // CH
NCHUNK = N // CH


def _sortpos_body(p_ref, pos_ref):
    p1 = p_ref[0]
    p = jnp.concatenate([p1, -p1], axis=-1)
    i64 = lax.broadcasted_iota(jnp.int32, (N, NB), 1).astype(jnp.float32)
    m = jnp.max(p, axis=-1, keepdims=True)
    hash_col = jnp.min(jnp.where(p == m, i64, float(NB)), axis=-1, keepdims=True)
    oh = (hash_col == i64).astype(jnp.float32)

    r = lax.broadcasted_iota(jnp.int32, (CH, CH), 0)
    c = lax.broadcasted_iota(jnp.int32, (CH, CH), 1)
    tri = (c <= r).astype(jnp.float32)

    base_row = jnp.zeros((1, NB), jnp.float32)
    ranks, bases, ohs = [], [], []
    for ck in range(NCHUNK):
        oh_c = oh[ck * CH:(ck + 1) * CH, :]
        cum_c = jnp.dot(tri, oh_c, precision=lax.Precision.HIGHEST)
        ranks.append(jnp.sum(oh_c * cum_c, axis=-1, keepdims=True))
        bases.append(jnp.sum(oh_c * base_row, axis=-1, keepdims=True))
        ohs.append(oh_c)
        base_row = base_row + cum_c[CH - 1:CH, :]
    br = lax.broadcasted_iota(jnp.int32, (NB, NB), 0)
    bc = lax.broadcasted_iota(jnp.int32, (NB, NB), 1)
    excl = (br < bc).astype(jnp.float32)
    start_row = jnp.dot(base_row, excl, precision=lax.Precision.HIGHEST)

    pieces = []
    for ck in range(NCHUNK):
        st = jnp.sum(ohs[ck] * start_row, axis=-1, keepdims=True)
        pieces.append(ranks[ck] + bases[ck] + st - 1.0)
    pos = jnp.concatenate(pieces, axis=0)
    pos_ref[0] = pos.astype(jnp.int32) + pl.program_id(0) * N


def _sortpos(pfull):
    return pl.pallas_call(
        _sortpos_body,
        grid=(D,),
        in_specs=[pl.BlockSpec((1, N, NB // 2), lambda b: (b, 0, 0))],
        out_specs=pl.BlockSpec((1, N, 1), lambda b: (b, 0, 0)),
        out_shape=jax.ShapeDtypeStruct((D, N, 1), jnp.int32),
    )(pfull)


def _scatter_body(x2_hbm, pos_hbm, out_hbm, idx_v, rows0, rows1, rows2,
                  rsem0, rsem1, rsem2, sem0, sem1, sem2):
    cid = lax.axis_index("c")
    sid = lax.axis_index("s")
    wid = sid * 2 + cid
    bufs = (rows0, rows1, rows2)
    rsems = (rsem0, rsem1, rsem2)
    ssems = (sem0, sem1, sem2)
    pltpu.sync_copy(pos_hbm.at[wid], idx_v)
    rds = [None] * 4
    scs = [None] * 4
    for j in range(3):
        rds[j] = pltpu.async_copy(
            x2_hbm.at[pl.ds(wid * 256 + j * 64, 64), pl.ds(H, H)],
            bufs[j], rsems[j])
    for j in range(4):
        if j == 3:
            scs[0].wait()
            rds[3] = pltpu.async_copy(
                x2_hbm.at[pl.ds(wid * 256 + 3 * 64, 64), pl.ds(H, H)],
                bufs[0], rsems[0])
        rds[j].wait()
        scs[j] = pltpu.async_copy(bufs[j % 3], out_hbm.at[idx_v.at[j]],
                                  ssems[j % 3])
    scs[1].wait()
    scs[2].wait()
    scs[3].wait()


@functools.partial(
    pl.kernel,
    mesh=plsc.VectorSubcoreMesh(core_axis_name="c", subcore_axis_name="s"),
    out_type=jax.ShapeDtypeStruct((D * N, H), jnp.float32),
    scratch_types=[
        pltpu.VMEM((4, 64), jnp.int32),
        pltpu.VMEM((64, H), jnp.float32),
        pltpu.VMEM((64, H), jnp.float32),
        pltpu.VMEM((64, H), jnp.float32),
        pltpu.SemaphoreType.DMA,
        pltpu.SemaphoreType.DMA,
        pltpu.SemaphoreType.DMA,
        pltpu.SemaphoreType.DMA,
        pltpu.SemaphoreType.DMA,
        pltpu.SemaphoreType.DMA,
    ],
)
def _scatter_rows(x2_flat, pos3, out, idx_v, rows0, rows1, rows2,
                  rsem0, rsem1, rsem2, sem0, sem1, sem2):
    _scatter_body(x2_flat, pos3, out, idx_v, rows0, rows1, rows2,
                  rsem0, rsem1, rsem2, sem0, sem1, sem2)


def _ln_rows(x, g, b):
    mu = jnp.mean(x, axis=-1, keepdims=True)
    xc = x - mu
    var = jnp.mean(xc * xc, axis=-1, keepdims=True)
    return xc * lax.rsqrt(var + 1e-5) * g + b


def _mm(a, b, dims=None):
    if dims is None:
        dims = (((a.ndim - 1,), (0,)), ((), ()))
    return lax.dot_general(a.astype(jnp.bfloat16), b.astype(jnp.bfloat16),
                           dims, preferred_element_type=jnp.float32)


ROWS = 1024
NSTEP = D * N // ROWS


def _main_body(x_ref, x2s_ref, wqkv_ref, bvu_ref, wb_ref, bb_ref, bu_ref,
               n1g_ref, n1b_ref, w1_ref, b1_ref, w2_ref, b2_ref, n2g_ref,
               n2b_ref, out_ref):
    xb = x_ref[0]
    x1 = xb[:, :H]
    x2 = xb[:, H:]
    xs = x2s_ref[...]
    xs16 = xs.astype(jnp.bfloat16)
    qv = _mm(xs16, wqkv_ref[...])
    t = qv[:, :H].astype(jnp.bfloat16)
    vfu = (qv[:, H:] + bvu_ref[...]).astype(jnp.bfloat16)
    cprow = _mm(wb_ref[...], xs16, (((1,), (1,)), ((), ())))
    bb = bb_ref[0, 0]
    r = lax.broadcasted_iota(jnp.int32, (CH, CH), 0)
    c = lax.broadcasted_iota(jnp.int32, (CH, CH), 1)
    dscale = jnp.where(r == c, 1.0 / (DQK ** 0.5) / PEN, 1.0 / (DQK ** 0.5))
    attns = []
    for j in range(ROWS // CH):
        sl = slice(j * CH, (j + 1) * CH)
        sj = _mm(t[sl, :], xs16[sl, :], (((1,), (1,)), ((), ())))
        cpj = cprow[:, sl]
        sj = sj + cpj + jnp.transpose(cpj) + bb
        sj = (sj * dscale).astype(jnp.bfloat16)
        attns.append(_mm(sj, vfu[sl, :]))
    uattn = jnp.concatenate(attns, axis=0) + bu_ref[...]
    y1 = _ln_rows(x1 + uattn, n1g_ref[...], n1b_ref[...])
    ffm = jnp.maximum(_mm(y1, w1_ref[...]) + b1_ref[...], 0.0).astype(jnp.bfloat16)
    ffo = _mm(ffm, w2_ref[...]) + b2_ref[...]
    y2 = _ln_rows(x2 + ffo, n2g_ref[...], n2b_ref[...])
    out_ref[0] = jnp.concatenate([y1, y2], axis=-1)


def _full(shape):
    return pl.BlockSpec(shape, lambda i: tuple(0 for _ in shape))


def _main(x, x2s, Wqk_w, Wqk_b, Wv_w, Wv_b, unify_w, unify_b, n1_g, n1_b,
          ff_w1, ff_b1, ff_w2, ff_b2, n2_g, n2_b):
    nrow = N // ROWS
    gram = Wqk_w @ Wqk_w.T
    wvu = Wv_w @ unify_w
    bvu = (Wv_b @ unify_w).reshape(1, -1)
    wqkv = jnp.concatenate([gram, wvu], axis=1)
    wb = (Wqk_w @ Wqk_b).reshape(1, -1)
    bb = (Wqk_b @ Wqk_b).reshape(1, 1)
    return pl.pallas_call(
        _main_body,
        grid=(NSTEP,),
        in_specs=[
            pl.BlockSpec((1, ROWS, DMODEL), lambda i: (i // nrow, i % nrow, 0)),
            pl.BlockSpec((ROWS, H), lambda i: (i, 0)),
            _full((H, 2 * H)),
            _full((1, H)),
            _full((1, H)),
            _full((1, 1)),
            _full((1, H)),
            _full((1, H)),
            _full((1, H)),
            _full((H, FF)),
            _full((1, FF)),
            _full((FF, H)),
            _full((1, H)),
            _full((1, H)),
            _full((1, H)),
        ],
        out_specs=pl.BlockSpec((1, ROWS, DMODEL), lambda i: (i // nrow, i % nrow, 0)),
        out_shape=jax.ShapeDtypeStruct((D, N, DMODEL), jnp.float32),
    )(x, x2s, wqkv, bvu, wb, bb,
      unify_b.reshape(1, -1), n1_g.reshape(1, -1), n1_b.reshape(1, -1),
      ff_w1, ff_b1.reshape(1, -1), ff_w2, ff_b2.reshape(1, -1),
      n2_g.reshape(1, -1), n2_b.reshape(1, -1))


def kernel(x, Wqk_w, Wqk_b, Wv_w, Wv_b, unify_w, unify_b, n1_g, n1_b,
           ff_w1, ff_b1, ff_w2, ff_b2, n2_g, n2_b, hashM):
    x2 = x[:, :, H:]
    qk = x2 @ Wqk_w + Wqk_b
    p1 = qk @ hashM
    pos = _sortpos(p1)
    pos3 = pos.reshape(32, 4, 64)
    x2s = _scatter_rows(x.reshape(D * N, DMODEL), pos3)
    return _main(x, x2s, Wqk_w, Wqk_b, Wv_w, Wv_b, unify_w, unify_b,
                 n1_g, n1_b, ff_w1, ff_b1, ff_w2, ff_b2, n2_g, n2_b)

# --- scband reference (transcript-rebuilt; emitter-appended) ---
"""Pipeline reference for scband-reformer-encoder-17849884082541 (READ-ONLY COPY).

The authoritative reference and input builder live on the scoring server;
editing this copy changes nothing except your own understanding.
"""

import jax, jax.numpy as jnp
import numpy as np

DMODEL = 1024; DQK = 64; DV = 64; HEADS = 16; FF = 2048; NB = 64; PEN = 100000.0
D = 2; N = 4096


def _ln(x, g, b, eps=1e-5):
    mu = jnp.mean(x, axis=-1, keepdims=True)
    var = jnp.mean((x - mu) ** 2, axis=-1, keepdims=True)
    return (x - mu) / jnp.sqrt(var + eps) * g + b


def setup_inputs(seed: int = 0):
    key = jax.random.key(seed)
    ks = jax.random.split(key, 8)
    h = DMODEL // 2

    def lin(k, fi, fo):
        s = 1.0 / np.sqrt(fi)
        k1, k2 = jax.random.split(k)
        w = jax.random.uniform(k1, (fi, fo), minval=-s, maxval=s, dtype=jnp.float32)
        b = jax.random.uniform(k2, (fo,), minval=-s, maxval=s, dtype=jnp.float32)
        return w, b

    x = jax.random.normal(ks[0], (D, N, DMODEL), dtype=jnp.float32)
    Wqk_w, Wqk_b = lin(ks[1], h, HEADS * DQK)
    Wv_w, Wv_b = lin(ks[2], h, HEADS * DV)
    unify_w, unify_b = lin(ks[3], HEADS * DV, h)
    ff_w1, ff_b1 = lin(ks[4], h, FF)
    ff_w2, ff_b2 = lin(ks[5], FF, h)
    hashM = jax.random.normal(ks[6], (HEADS * DQK, NB // 2), dtype=jnp.float32)
    n1_g = jnp.ones((h,), jnp.float32); n1_b = jnp.zeros((h,), jnp.float32)
    n2_g = jnp.ones((h,), jnp.float32); n2_b = jnp.zeros((h,), jnp.float32)
    return {"x": x, "Wqk_w": Wqk_w, "Wqk_b": Wqk_b, "Wv_w": Wv_w, "Wv_b": Wv_b,
            "unify_w": unify_w, "unify_b": unify_b, "n1_g": n1_g, "n1_b": n1_b,
            "ff_w1": ff_w1, "ff_b1": ff_b1, "ff_w2": ff_w2, "ff_b2": ff_b2,
            "n2_g": n2_g, "n2_b": n2_b, "hashM": hashM}


def reference(x, Wqk_w, Wqk_b, Wv_w, Wv_b, unify_w, unify_b, n1_g, n1_b,
              ff_w1, ff_b1, ff_w2, ff_b2, n2_g, n2_b, hashM):
    d, n = x.shape[0], x.shape[1]
    h = DMODEL // 2
    x1 = x[:, :, :h]
    x2 = x[:, :, h:]
    ch = 2 * (n // NB)
    nc = NB // 2
    # LSH attention on x2
    qk = x2 @ Wqk_w + Wqk_b
    proj1 = qk @ hashM
    proj2 = (-qk) @ hashM
    hashes = jnp.argmax(jnp.concatenate([proj1, proj2], axis=-1), axis=-1)
    sorted_idx = jnp.argsort(hashes, axis=-1).reshape(-1)
    offset = jnp.repeat(jnp.arange(d, dtype=sorted_idx.dtype) * n, n)
    indices = offset + sorted_idx
    qkf = jnp.take(qk.reshape(-1, HEADS * DQK), indices, axis=0).reshape(d * nc, ch, HEADS * DQK)
    scores = jnp.einsum('bik,bjk->bij', qkf, qkf) / (DQK ** 0.5)
    diag = 1.0 + jnp.eye(ch, dtype=jnp.float32) * (PEN - 1.0)
    scores = scores / diag
    vals = x2 @ Wv_w + Wv_b
    valsf = jnp.take(vals.reshape(-1, HEADS * DV), indices, axis=0).reshape(d * nc, ch, HEADS * DV)
    attn = jnp.einsum('bij,bjk->bik', scores, valsf).reshape(d, n, HEADS * DV)
    uattn = attn @ unify_w + unify_b
    y1 = _ln(x1 + uattn, n1_g, n1_b)
    ffo = jnp.maximum(y1 @ ff_w1 + ff_b1, 0.0) @ ff_w2 + ff_b2
    y2 = _ln(x2 + ffo, n2_g, n2_b)
    return jnp.concatenate([y1, y2], axis=-1)

if __name__ == "__main__":
    import jax
    _d = setup_inputs()
    print(jax.jit(kernel)(*tuple(_d.values())))

</pallas_src>

<mosaic_0001>
#map = affine_map<(d0, d1) -> (0, 0)>
#map1 = affine_map<(d0, d1) -> (0, 0, 0)>
module attributes {stable_mosaic.version = 14 : i64} {
  func.func @_scatter_rows(%arg0: i32, %arg1: i32, %arg2: memref<8192x1024xf32, #tpu.memory_space<hbm>>, %arg3: memref<32x4x64xi32, #tpu.memory_space<hbm>>, %arg4: memref<8192x512xf32, #tpu.memory_space<hbm>>, %arg5: memref<4x64xi32, #tpu.memory_space<vmem>>, %arg6: memref<64x512xf32, #tpu.memory_space<vmem>>, %arg7: memref<64x512xf32, #tpu.memory_space<vmem>>, %arg8: memref<64x512xf32, #tpu.memory_space<vmem>>, %arg9: memref<!tpu.dma_semaphore, #tpu.memory_space<semaphore_mem>>, %arg10: memref<!tpu.dma_semaphore, #tpu.memory_space<semaphore_mem>>, %arg11: memref<!tpu.dma_semaphore, #tpu.memory_space<semaphore_mem>>, %arg12: memref<!tpu.dma_semaphore, #tpu.memory_space<semaphore_mem>>, %arg13: memref<!tpu.dma_semaphore, #tpu.memory_space<semaphore_mem>>, %arg14: memref<!tpu.dma_semaphore, #tpu.memory_space<semaphore_mem>>) attributes {dimension_semantics = [#tpu.dimension_semantics<core_parallel>, #tpu.dimension_semantics<subcore_parallel>], iteration_bounds = array<i64: 2, 16>, scalar_prefetch = 0 : i64, scratch_operands = 10 : i64, tpu.core_type = #tpu.core_type<sc_vector_subcore>, window_params = [{transform_indices = #map}, {transform_indices = #map1}, {transform_indices = #map}]} {
    %mul3A = arith.constant 2 : i32
    %mul3A_0 = arith.muli %arg1, %mul3A : i32
    %add3A = arith.addi %mul3A_0, %arg0 : i32
    "tpu.region"() ({
      %run_scoped3A = tpu.sem_alloc : memref<!tpu.dma_semaphore, #tpu.memory_space<semaphore_mem>>
      %dma_start3A_103 = arith.constant 0 : i32
      %dma_start3A_104 = arith.constant 0 : i32
      %dma_start3A_105 = tpu.memref_slice %arg3[%add3A, %dma_start3A_103, %dma_start3A_104] : memref<32x4x64xi32, #tpu.memory_space<hbm>> -> memref<1x4x64xi32, #tpu.memory_space<hbm>>
      %dma_start3A_106 = tpu.memref_squeeze %dma_start3A_105 : memref<1x4x64xi32, #tpu.memory_space<hbm>> -> memref<4x64xi32, #tpu.memory_space<hbm>>
      %dma_start3A_107 = arith.constant 0 : i32
      %dma_start3A_108 = arith.constant 0 : i32
      %dma_start3A_109 = tpu.memref_slice %arg3[%add3A, %dma_start3A_107, %dma_start3A_108] : memref<32x4x64xi32, #tpu.memory_space<hbm>> -> memref<1x4x64xi32, #tpu.memory_space<hbm>>
      %dma_start3A_110 = tpu.memref_squeeze %dma_start3A_109 : memref<1x4x64xi32, #tpu.memory_space<hbm>> -> memref<4x64xi32, #tpu.memory_space<hbm>>
      tpu.enqueue_dma source(%dma_start3A_110 : memref<4x64xi32, #tpu.memory_space<hbm>>) target(%arg5 : memref<4x64xi32, #tpu.memory_space<vmem>>) target_semaphore(%run_scoped3A : memref<!tpu.dma_semaphore, #tpu.memory_space<semaphore_mem>>)
      %dma_wait3A_111 = arith.constant 0 : i32
      %dma_wait3A_112 = arith.constant 0 : i32
      %dma_wait3A_113 = tpu.memref_slice %arg3[%add3A, %dma_wait3A_111, %dma_wait3A_112] : memref<32x4x64xi32, #tpu.memory_space<hbm>> -> memref<1x4x64xi32, #tpu.memory_space<hbm>>
      %dma_wait3A_114 = tpu.memref_squeeze %dma_wait3A_113 : memref<1x4x64xi32, #tpu.memory_space<hbm>> -> memref<4x64xi32, #tpu.memory_space<hbm>>
      %dma_wait3A_115 = arith.constant 0 : i32
      %dma_wait3A_116 = arith.constant 0 : i32
      %dma_wait3A_117 = tpu.memref_slice %arg3[%add3A, %dma_wait3A_115, %dma_wait3A_116] : memref<32x4x64xi32, #tpu.memory_space<hbm>> -> memref<1x4x64xi32, #tpu.memory_space<hbm>>
      %dma_wait3A_118 = tpu.memref_squeeze %dma_wait3A_117 : memref<1x4x64xi32, #tpu.memory_space<hbm>> -> memref<4x64xi32, #tpu.memory_space<hbm>>
      tpu.wait_dma2 semaphore(%run_scoped3A : memref<!tpu.dma_semaphore, #tpu.memory_space<semaphore_mem>>) src(%dma_wait3A_118 : memref<4x64xi32, #tpu.memory_space<hbm>>) dst(%arg5 : memref<4x64xi32, #tpu.memory_space<vmem>>)
      tpu.yield
    }) : () -> ()
    %mul3A_1 = arith.constant 256 : i32
    %mul3A_2 = arith.muli %add3A, %mul3A_1 : i32
    %add3A_3 = arith.constant 0 : i32
    %add3A_4 = arith.addi %mul3A_2, %add3A_3 : i32
    %dma_start3A = arith.constant 512 : i32
    %dma_start3A_5 = tpu.memref_slice %arg2[%add3A_4, %dma_start3A] : memref<8192x1024xf32, #tpu.memory_space<hbm>> -> memref<64x512xf32, #tpu.memory_space<hbm>>
    %dma_start3A_6 = arith.constant 512 : i32
    %dma_start3A_7 = tpu.memref_slice %arg2[%add3A_4, %dma_start3A_6] : memref<8192x1024xf32, #tpu.memory_space<hbm>> -> memref<64x512xf32, #tpu.memory_space<hbm>>
    tpu.enqueue_dma source(%dma_start3A_7 : memref<64x512xf32, #tpu.memory_space<hbm>>) target(%arg6 : memref<64x512xf32, #tpu.memory_space<vmem>>) target_semaphore(%arg9 : memref<!tpu.dma_semaphore, #tpu.memory_space<semaphore_mem>>)
    %mul3A_8 = arith.constant 256 : i32
    %mul3A_9 = arith.muli %add3A, %mul3A_8 : i32
    %add3A_10 = arith.constant 64 : i32
    %add3A_11 = arith.addi %mul3A_9, %add3A_10 : i32
    %dma_start3A_12 = arith.constant 512 : i32
    %dma_start3A_13 = tpu.memref_slice %arg2[%add3A_11, %dma_start3A_12] : memref<8192x1024xf32, #tpu.memory_space<hbm>> -> memref<64x512xf32, #tpu.memory_space<hbm>>
    %dma_start3A_14 = arith.constant 512 : i32
    %dma_start3A_15 = tpu.memref_slice %arg2[%add3A_11, %dma_start3A_14] : memref<8192x1024xf32, #tpu.memory_space<hbm>> -> memref<64x512xf32, #tpu.memory_space<hbm>>
    tpu.enqueue_dma source(%dma_start3A_15 : memref<64x512xf32, #tpu.memory_space<hbm>>) target(%arg7 : memref<64x512xf32, #tpu.memory_space<vmem>>) target_semaphore(%arg10 : memref<!tpu.dma_semaphore, #tpu.memory_space<semaphore_mem>>)
    %mul3A_16 = arith.constant 256 : i32
    %mul3A_17 = arith.muli %add3A, %mul3A_16 : i32
    %add3A_18 = arith.constant 128 : i32
    %add3A_19 = arith.addi %mul3A_17, %add3A_18 : i32
    %dma_start3A_20 = arith.constant 512 : i32
    %dma_start3A_21 = tpu.memref_slice %arg2[%add3A_19, %dma_start3A_20] : memref<8192x1024xf32, #tpu.memory_space<hbm>> -> memref<64x512xf32, #tpu.memory_space<hbm>>
    %dma_start3A_22 = arith.constant 512 : i32
    %dma_start3A_23 = tpu.memref_slice %arg2[%add3A_19, %dma_start3A_22] : memref<8192x1024xf32, #tpu.memory_space<hbm>> -> memref<64x512xf32, #tpu.memory_space<hbm>>
    tpu.enqueue_dma source(%dma_start3A_23 : memref<64x512xf32, #tpu.memory_space<hbm>>) target(%arg8 : memref<64x512xf32, #tpu.memory_space<vmem>>) target_semaphore(%arg11 : memref<!tpu.dma_semaphore, #tpu.memory_space<semaphore_mem>>)
    %dma_wait3A = arith.constant 512 : i32
    %dma_wait3A_24 = tpu.memref_slice %arg2[%add3A_4, %dma_wait3A] : memref<8192x1024xf32, #tpu.memory_space<hbm>> -> memref<64x512xf32, #tpu.memory_space<hbm>>
    %dma_wait3A_25 = arith.constant 512 : i32
    %dma_wait3A_26 = tpu.memref_slice %arg2[%add3A_4, %dma_wait3A_25] : memref<8192x1024xf32, #tpu.memory_space<hbm>> -> memref<64x512xf32, #tpu.memory_space<hbm>>
    tpu.wait_dma2 semaphore(%arg9 : memref<!tpu.dma_semaphore, #tpu.memory_space<semaphore_mem>>) src(%dma_wait3A_26 : memref<64x512xf32, #tpu.memory_space<hbm>>) dst(%arg6 : memref<64x512xf32, #tpu.memory_space<vmem>>)
    %dma_start3A_27 = arith.constant 0 : i32
    %dma_start3A_28 = arith.constant 0 : i32
    %dma_start3A_29 = tpu.memref_slice %arg5[%dma_start3A_27, %dma_start3A_28] : memref<4x64xi32, #tpu.memory_space<vmem>> -> memref<1x64xi32, #tpu.memory_space<vmem>>
    %dma_start3A_30 = tpu.memref_squeeze %dma_start3A_29 : memref<1x64xi32, #tpu.memory_space<vmem>> -> memref<64xi32, #tpu.memory_space<vmem>>
    %dma_start3A_31 = arith.constant 0 : i32
    %dma_start3A_32 = arith.constant 0 : i32
    %dma_start3A_33 = tpu.memref_slice %arg4[%dma_start3A_31, %dma_start3A_32] : memref<8192x512xf32, #tpu.memory_space<hbm>> -> memref<8192x512xf32, #tpu.memory_space<hbm>>
    tpu.enqueue_indirect_dma source(%arg6 : memref<64x512xf32, #tpu.memory_space<vmem>>) target(%dma_start3A_33 : memref<8192x512xf32, #tpu.memory_space<hbm>>) offsets(%dma_start3A_30 : memref<64xi32, #tpu.memory_space<vmem>>) semaphore(%arg12 : memref<!tpu.dma_semaphore, #tpu.memory_space<semaphore_mem>>)
    %dma_wait3A_34 = arith.constant 512 : i32
    %dma_wait3A_35 = tpu.memref_slice %arg2[%add3A_11, %dma_wait3A_34] : memref<8192x1024xf32, #tpu.memory_space<hbm>> -> memref<64x512xf32, #tpu.memory_space<hbm>>
    %dma_wait3A_36 = arith.constant 512 : i32
    %dma_wait3A_37 = tpu.memref_slice %arg2[%add3A_11, %dma_wait3A_36] : memref<8192x1024xf32, #tpu.memory_space<hbm>> -> memref<64x512xf32, #tpu.memory_space<hbm>>
    tpu.wait_dma2 semaphore(%arg10 : memref<!tpu.dma_semaphore, #tpu.memory_space<semaphore_mem>>) src(%dma_wait3A_37 : memref<64x512xf32, #tpu.memory_space<hbm>>) dst(%arg7 : memref<64x512xf32, #tpu.memory_space<vmem>>)
    %dma_start3A_38 = arith.constant 1 : i32
    %dma_start3A_39 = arith.constant 0 : i32
    %dma_start3A_40 = tpu.memref_slice %arg5[%dma_start3A_38, %dma_start3A_39] : memref<4x64xi32, #tpu.memory_space<vmem>> -> memref<1x64xi32, #tpu.memory_space<vmem>>
    %dma_start3A_41 = tpu.memref_squeeze %dma_start3A_40 : memref<1x64xi32, #tpu.memory_space<vmem>> -> memref<64xi32, #tpu.memory_space<vmem>>
    %dma_start3A_42 = arith.constant 0 : i32
    %dma_start3A_43 = arith.constant 0 : i32
    %dma_start3A_44 = tpu.memref_slice %arg4[%dma_start3A_42, %dma_start3A_43] : memref<8192x512xf32, #tpu.memory_space<hbm>> -> memref<8192x512xf32, #tpu.memory_space<hbm>>
    tpu.enqueue_indirect_dma source(%arg7 : memref<64x512xf32, #tpu.memory_space<vmem>>) target(%dma_start3A_44 : memref<8192x512xf32, #tpu.memory_space<hbm>>) offsets(%dma_start3A_41 : memref<64xi32, #tpu.memory_space<vmem>>) semaphore(%arg13 : memref<!tpu.dma_semaphore, #tpu.memory_space<semaphore_mem>>)
    %dma_wait3A_45 = arith.constant 512 : i32
    %dma_wait3A_46 = tpu.memref_slice %arg2[%add3A_19, %dma_wait3A_45] : memref<8192x1024xf32, #tpu.memory_space<hbm>> -> memref<64x512xf32, #tpu.memory_space<hbm>>
    %dma_wait3A_47 = arith.constant 512 : i32
    %dma_wait3A_48 = tpu.memref_slice %arg2[%add3A_19, %dma_wait3A_47] : memref<8192x1024xf32, #tpu.memory_space<hbm>> -> memref<64x512xf32, #tpu.memory_space<hbm>>
    tpu.wait_dma2 semaphore(%arg11 : memref<!tpu.dma_semaphore, #tpu.memory_space<semaphore_mem>>) src(%dma_wait3A_48 : memref<64x512xf32, #tpu.memory_space<hbm>>) dst(%arg8 : memref<64x512xf32, #tpu.memory_space<vmem>>)
    %dma_start3A_49 = arith.constant 2 : i32
    %dma_start3A_50 = arith.constant 0 : i32
    %dma_start3A_51 = tpu.memref_slice %arg5[%dma_start3A_49, %dma_start3A_50] : memref<4x64xi32, #tpu.memory_space<vmem>> -> memref<1x64xi32, #tpu.memory_space<vmem>>
    %dma_start3A_52 = tpu.memref_squeeze %dma_start3A_51 : memref<1x64xi32, #tpu.memory_space<vmem>> -> memref<64xi32, #tpu.memory_space<vmem>>
    %dma_start3A_53 = arith.constant 0 : i32
    %dma_start3A_54 = arith.constant 0 : i32
    %dma_start3A_55 = tpu.memref_slice %arg4[%dma_start3A_53, %dma_start3A_54] : memref<8192x512xf32, #tpu.memory_space<hbm>> -> memref<8192x512xf32, #tpu.memory_space<hbm>>
    tpu.enqueue_indirect_dma source(%arg8 : memref<64x512xf32, #tpu.memory_space<vmem>>) target(%dma_start3A_55 : memref<8192x512xf32, #tpu.memory_space<hbm>>) offsets(%dma_start3A_52 : memref<64xi32, #tpu.memory_space<vmem>>) semaphore(%arg14 : memref<!tpu.dma_semaphore, #tpu.memory_space<semaphore_mem>>)
    %dma_wait3A_56 = arith.constant 0 : i32
    %dma_wait3A_57 = arith.constant 0 : i32
    %dma_wait3A_58 = tpu.memref_slice %arg5[%dma_wait3A_56, %dma_wait3A_57] : memref<4x64xi32, #tpu.memory_space<vmem>> -> memref<1x64xi32, #tpu.memory_space<vmem>>
    %dma_wait3A_59 = tpu.memref_squeeze %dma_wait3A_58 : memref<1x64xi32, #tpu.memory_space<vmem>> -> memref<64xi32, #tpu.memory_space<vmem>>
    %dma_wait3A_60 = arith.constant 0 : i32
    %dma_wait3A_61 = arith.constant 0 : i32
    %dma_wait3A_62 = tpu.memref_slice %arg4[%dma_wait3A_60, %dma_wait3A_61] : memref<8192x512xf32, #tpu.memory_space<hbm>> -> memref<8192x512xf32, #tpu.memory_space<hbm>>
    tpu.wait_indirect_dma semaphore(%arg12 : memref<!tpu.dma_semaphore, #tpu.memory_space<semaphore_mem>>) src(%arg6 : memref<64x512xf32, #tpu.memory_space<vmem>>) dst(%dma_wait3A_62 : memref<8192x512xf32, #tpu.memory_space<hbm>>)
    %mul3A_63 = arith.constant 256 : i32
    %mul3A_64 = arith.muli %add3A, %mul3A_63 : i32
    %add3A_65 = arith.constant 192 : i32
    %add3A_66 = arith.addi %mul3A_64, %add3A_65 : i32
    %dma_start3A_67 = arith.constant 512 : i32
    %dma_start3A_68 = tpu.memref_slice %arg2[%add3A_66, %dma_start3A_67] : memref<8192x1024xf32, #tpu.memory_space<hbm>> -> memref<64x512xf32, #tpu.memory_space<hbm>>
    %dma_start3A_69 = arith.constant 512 : i32
    %dma_start3A_70 = tpu.memref_slice %arg2[%add3A_66, %dma_start3A_69] : memref<8192x1024xf32, #tpu.memory_space<hbm>> -> memref<64x512xf32, #tpu.memory_space<hbm>>
    tpu.enqueue_dma source(%dma_start3A_70 : memref<64x512xf32, #tpu.memory_space<hbm>>) target(%arg6 : memref<64x512xf32, #tpu.memory_space<vmem>>) target_semaphore(%arg9 : memref<!tpu.dma_semaphore, #tpu.memory_space<semaphore_mem>>)
    %dma_wait3A_71 = arith.constant 512 : i32
    %dma_wait3A_72 = tpu.memref_slice %arg2[%add3A_66, %dma_wait3A_71] : memref<8192x1024xf32, #tpu.memory_space<hbm>> -> memref<64x512xf32, #tpu.memory_space<hbm>>
    %dma_wait3A_73 = arith.constant 512 : i32
    %dma_wait3A_74 = tpu.memref_slice %arg2[%add3A_66, %dma_wait3A_73] : memref<8192x1024xf32, #tpu.memory_space<hbm>> -> memref<64x512xf32, #tpu.memory_space<hbm>>
    tpu.wait_dma2 semaphore(%arg9 : memref<!tpu.dma_semaphore, #tpu.memory_space<semaphore_mem>>) src(%dma_wait3A_74 : memref<64x512xf32, #tpu.memory_space<hbm>>) dst(%arg6 : memref<64x512xf32, #tpu.memory_space<vmem>>)
    %dma_start3A_75 = arith.constant 3 : i32
    %dma_start3A_76 = arith.constant 0 : i32
    %dma_start3A_77 = tpu.memref_slice %arg5[%dma_start3A_75, %dma_start3A_76] : memref<4x64xi32, #tpu.memory_space<vmem>> -> memref<1x64xi32, #tpu.memory_space<vmem>>
    %dma_start3A_78 = tpu.memref_squeeze %dma_start3A_77 : memref<1x64xi32, #tpu.memory_space<vmem>> -> memref<64xi32, #tpu.memory_space<vmem>>
    %dma_start3A_79 = arith.constant 0 : i32
    %dma_start3A_80 = arith.constant 0 : i32
    %dma_start3A_81 = tpu.memref_slice %arg4[%dma_start3A_79, %dma_start3A_80] : memref<8192x512xf32, #tpu.memory_space<hbm>> -> memref<8192x512xf32, #tpu.memory_space<hbm>>
    tpu.enqueue_indirect_dma source(%arg6 : memref<64x512xf32, #tpu.memory_space<vmem>>) target(%dma_start3A_81 : memref<8192x512xf32, #tpu.memory_space<hbm>>) offsets(%dma_start3A_78 : memref<64xi32, #tpu.memory_space<vmem>>) semaphore(%arg12 : memref<!tpu.dma_semaphore, #tpu.memory_space<semaphore_mem>>)
    %dma_wait3A_82 = arith.constant 1 : i32
    %dma_wait3A_83 = arith.constant 0 : i32
    %dma_wait3A_84 = tpu.memref_slice %arg5[%dma_wait3A_82, %dma_wait3A_83] : memref<4x64xi32, #tpu.memory_space<vmem>> -> memref<1x64xi32, #tpu.memory_space<vmem>>
    %dma_wait3A_85 = tpu.memref_squeeze %dma_wait3A_84 : memref<1x64xi32, #tpu.memory_space<vmem>> -> memref<64xi32, #tpu.memory_space<vmem>>
    %dma_wait3A_86 = arith.constant 0 : i32
    %dma_wait3A_87 = arith.constant 0 : i32
    %dma_wait3A_88 = tpu.memref_slice %arg4[%dma_wait3A_86, %dma_wait3A_87] : memref<8192x512xf32, #tpu.memory_space<hbm>> -> memref<8192x512xf32, #tpu.memory_space<hbm>>
    tpu.wait_indirect_dma semaphore(%arg13 : memref<!tpu.dma_semaphore, #tpu.memory_space<semaphore_mem>>) src(%arg7 : memref<64x512xf32, #tpu.memory_space<vmem>>) dst(%dma_wait3A_88 : memref<8192x512xf32, #tpu.memory_space<hbm>>)
    %dma_wait3A_89 = arith.constant 2 : i32
    %dma_wait3A_90 = arith.constant 0 : i32
    %dma_wait3A_91 = tpu.memref_slice %arg5[%dma_wait3A_89, %dma_wait3A_90] : memref<4x64xi32, #tpu.memory_space<vmem>> -> memref<1x64xi32, #tpu.memory_space<vmem>>
    %dma_wait3A_92 = tpu.memref_squeeze %dma_wait3A_91 : memref<1x64xi32, #tpu.memory_space<vmem>> -> memref<64xi32, #tpu.memory_space<vmem>>
    %dma_wait3A_93 = arith.constant 0 : i32
    %dma_wait3A_94 = arith.constant 0 : i32
    %dma_wait3A_95 = tpu.memref_slice %arg4[%dma_wait3A_93, %dma_wait3A_94] : memref<8192x512xf32, #tpu.memory_space<hbm>> -> memref<8192x512xf32, #tpu.memory_space<hbm>>
    tpu.wait_indirect_dma semaphore(%arg14 : memref<!tpu.dma_semaphore, #tpu.memory_space<semaphore_mem>>) src(%arg8 : memref<64x512xf32, #tpu.memory_space<vmem>>) dst(%dma_wait3A_95 : memref<8192x512xf32, #tpu.memory_space<hbm>>)
    %dma_wait3A_96 = arith.constant 3 : i32
    %dma_wait3A_97 = arith.constant 0 : i32
    %dma_wait3A_98 = tpu.memref_slice %arg5[%dma_wait3A_96, %dma_wait3A_97] : memref<4x64xi32, #tpu.memory_space<vmem>> -> memref<1x64xi32, #tpu.memory_space<vmem>>
    %dma_wait3A_99 = tpu.memref_squeeze %dma_wait3A_98 : memref<1x64xi32, #tpu.memory_space<vmem>> -> memref<64xi32, #tpu.memory_space<vmem>>
    %dma_wait3A_100 = arith.constant 0 : i32
    %dma_wait3A_101 = arith.constant 0 : i32
    %dma_wait3A_102 = tpu.memref_slice %arg4[%dma_wait3A_100, %dma_wait3A_101] : memref<8192x512xf32, #tpu.memory_space<hbm>> -> memref<8192x512xf32, #tpu.memory_space<hbm>>
    tpu.wait_indirect_dma semaphore(%arg12 : memref<!tpu.dma_semaphore, #tpu.memory_space<semaphore_mem>>) src(%arg6 : memref<64x512xf32, #tpu.memory_space<vmem>>) dst(%dma_wait3A_102 : memref<8192x512xf32, #tpu.memory_space<hbm>>)
    return
  }
}

module attributes {stable_mosaic.version = 14 : i64} {
  func.func @_sortpos_body(%arg0: i32, %arg1: memref<1x4096x32xf32, #tpu.memory_space<vmem>>, %arg2: memref<1x4096x1xi32, #tpu.memory_space<vmem>>) attributes {dimension_semantics = [#tpu.dimension_semantics<arbitrary>], iteration_bounds = array<i64: 2>, scalar_prefetch = 0 : i64, scratch_operands = 0 : i64, tpu.core_type = #tpu.core_type<tc>, window_params = [{transform_indices = @transform_0, window_bounds = array<i64: 1, 4096, 32>}, {transform_indices = @transform_1, window_bounds = array<i64: 1, 4096, 1>}]} {
    %get3A = arith.constant 0 : index
    %get3A_0 = arith.constant 0 : index
    %get3A_1 = arith.constant 0 : index
    %get3A_2 = vector.load %arg1[%get3A, %get3A_0, %get3A_1] : memref<1x4096x32xf32, #tpu.memory_space<vmem>>, vector<1x4096x32xf32>
    %get3A_3 = vector.shape_cast %get3A_2 : vector<1x4096x32xf32> to vector<4096x32xf32>
    %neg3A = arith.constant 0.000000e+00 : f32
    %neg3A_4 = vector.broadcast %neg3A : f32 to vector<4096x32xf32>
    %neg3A_5 = arith.subf %neg3A_4, %get3A_3 : vector<4096x32xf32>
    %concatenate3A = tpu.concatenate %get3A_3, %neg3A_5 in 1 : vector<4096x32xf32>, vector<4096x32xf32> -> vector<4096x64xf32>
    %iota3A = tpu.iota {dimensions = array<i32: 1>} : vector<4096x64xi32>
    %convert_element_type3A = arith.sitofp %iota3A : vector<4096x64xi32> to vector<4096x64xf32>
    %reduce_max3A = arith.constant dense<0xFF800000> : vector<4096xf32>
    %reduce_max3A_6 = vector.multi_reduction <maximumf>, %concatenate3A, %reduce_max3A [1] : vector<4096x64xf32> to vector<4096xf32>
    %broadcast_in_dim3A = vector.shape_cast %reduce_max3A_6 : vector<4096xf32> to vector<4096x1xf32>
    %eq3A = vector.broadcast %broadcast_in_dim3A : vector<4096x1xf32> to vector<4096x64xf32>
    %eq3A_7 = arith.cmpf oeq, %concatenate3A, %eq3A : vector<4096x64xf32>
    %jit3A = arith.constant 6.400000e+01 : f32
    %broadcast_in_dim3A_8 = vector.broadcast %jit3A : f32 to vector<4096x64xf32>
    %select_n3A = arith.select %eq3A_7, %convert_element_type3A, %broadcast_in_dim3A_8 : vector<4096x64xi1>, vector<4096x64xf32>
    %reduce_min3A = arith.constant dense<0x7F800000> : vector<4096xf32>
    %reduce_min3A_9 = vector.multi_reduction <minimumf>, %select_n3A, %reduce_min3A [1] : vector<4096x64xf32> to vector<4096xf32>
    %broadcast_in_dim3A_10 = vector.shape_cast %reduce_min3A_9 : vector<4096xf32> to vector<4096x1xf32>
    %eq3A_11 = vector.broadcast %broadcast_in_dim3A_10 : vector<4096x1xf32> to vector<4096x64xf32>
    %eq3A_12 = arith.cmpf oeq, %eq3A_11, %convert_element_type3A : vector<4096x64xf32>
    %convert_element_type3A_13 = arith.extui %eq3A_12 : vector<4096x64xi1> to vector<4096x64xi32>
    %convert_element_type3A_14 = arith.sitofp %convert_element_type3A_13 : vector<4096x64xi32> to vector<4096x64xf32>
    %iota3A_15 = tpu.iota {dimensions = array<i32: 0>} : vector<128x128xi32>
    %iota3A_16 = tpu.iota {dimensions = array<i32: 1>} : vector<128x128xi32>
    %le3A = arith.cmpi sle, %iota3A_16, %iota3A_15 : vector<128x128xi32>
    %convert_element_type3A_17 = arith.extui %le3A : vector<128x128xi1> to vector<128x128xi32>
    %convert_element_type3A_18 = arith.sitofp %convert_element_type3A_17 : vector<128x128xi32> to vector<128x128xf32>
    %broadcast_in_dim3A_19 = arith.constant 0.000000e+00 : f32
    %broadcast_in_dim3A_20 = vector.broadcast %broadcast_in_dim3A_19 : f32 to vector<1x64xf32>
    %slice3A = vector.extract_strided_slice %convert_element_type3A_14 {offsets = [0, 0], sizes = [128, 64], strides = [1, 1]} : vector<4096x64xf32> to vector<128x64xf32>
    %dot_general3A = arith.constant dense<0.000000e+00> : vector<128x64xf32>
    %dot_general3A_21 = tpu.matmul %convert_element_type3A_18, %slice3A, %dot_general3A {dimension_numbers = #tpu.dot_dimension_numbers<[1], [0], [0], [1], [0, 0, 1, 1], [], []>, precision = #tpu.contract_precision<fp32>, transpose_lhs_hint = false} : vector<128x128xf32>, vector<128x64xf32>, vector<128x64xf32> -> vector<128x64xf32>
    %mul3A = arith.mulf %slice3A, %dot_general3A_21 : vector<128x64xf32>
    %reduce_sum3A = arith.constant dense<0.000000e+00> : vector<128xf32>
    %reduce_sum3A_22 = vector.multi_reduction <add>, %mul3A, %reduce_sum3A [1] : vector<128x64xf32> to vector<128xf32>
    %broadcast_in_dim3A_23 = vector.shape_cast %reduce_sum3A_22 : vector<128xf32> to vector<128x1xf32>
    %mul3A_24 = vector.broadcast %broadcast_in_dim3A_20 : vector<1x64xf32> to vector<128x64xf32>
    %mul3A_25 = arith.mulf %slice3A, %mul3A_24 : vector<128x64xf32>
    %reduce_sum3A_26 = arith.constant dense<0.000000e+00> : vector<128xf32>
    %reduce_sum3A_27 = vector.multi_reduction <add>, %mul3A_25, %reduce_sum3A_26 [1] : vector<128x64xf32> to vector<128xf32>
    %broadcast_in_dim3A_28 = vector.shape_cast %reduce_sum3A_27 : vector<128xf32> to vector<128x1xf32>
    %slice3A_29 = vector.extract_strided_slice %dot_general3A_21 {offsets = [127, 0], sizes = [1, 64], strides = [1, 1]} : vector<128x64xf32> to vector<1x64xf32>
    %add3A = arith.addf %broadcast_in_dim3A_20, %slice3A_29 : vector<1x64xf32>
    %slice3A_30 = vector.extract_strided_slice %convert_element_type3A_14 {offsets = [128, 0], sizes = [128, 64], strides = [1, 1]} : vector<4096x64xf32> to vector<128x64xf32>
    %dot_general3A_31 = arith.constant dense<0.000000e+00> : vector<128x64xf32>
    %dot_general3A_32 = tpu.matmul %convert_element_type3A_18, %slice3A_30, %dot_general3A_31 {dimension_numbers = #tpu.dot_dimension_numbers<[1], [0], [0], [1], [0, 0, 1, 1], [], []>, precision = #tpu.contract_precision<fp32>, transpose_lhs_hint = false} : vector<128x128xf32>, vector<128x64xf32>, vector<128x64xf32> -> vector<128x64xf32>
    %mul3A_33 = arith.mulf %slice3A_30, %dot_general3A_32 : vector<128x64xf32>
    %reduce_sum3A_34 = arith.constant dense<0.000000e+00> : vector<128xf32>
    %reduce_sum3A_35 = vector.multi_reduction <add>, %mul3A_33, %reduce_sum3A_34 [1] : vector<128x64xf32> to vector<128xf32>
    %broadcast_in_dim3A_36 = vector.shape_cast %reduce_sum3A_35 : vector<128xf32> to vector<128x1xf32>
    %mul3A_37 = vector.broadcast %add3A : vector<1x64xf32> to vector<128x64xf32>
    %mul3A_38 = arith.mulf %slice3A_30, %mul3A_37 : vector<128x64xf32>
    %reduce_sum3A_39 = arith.constant dense<0.000000e+00> : vector<128xf32>
    %reduce_sum3A_40 = vector.multi_reduction <add>, %mul3A_38, %reduce_sum3A_39 [1] : vector<128x64xf32> to vector<128xf32>
    %broadcast_in_dim3A_41 = vector.shape_cast %reduce_sum3A_40 : vector<128xf32> to vector<128x1xf32>
    %slice3A_42 = vector.extract_strided_slice %dot_general3A_32 {offsets = [127, 0], sizes = [1, 64], strides = [1, 1]} : vector<128x64xf32> to vector<1x64xf32>
    %add3A_43 = arith.addf %add3A, %slice3A_42 : vector<1x64xf32>
    %slice3A_44 = vector.extract_strided_slice %convert_element_type3A_14 {offsets = [256, 0], sizes = [128, 64], strides = [1, 1]} : vector<4096x64xf32> to vector<128x64xf32>
    %dot_general3A_45 = arith.constant dense<0.000000e+00> : vector<128x64xf32>
    %dot_general3A_46 = tpu.matmul %convert_element_type3A_18, %slice3A_44, %dot_general3A_45 {dimension_numbers = #tpu.dot_dimension_numbers<[1], [0], [0], [1], [0, 0, 1, 1], [], []>, precision = #tpu.contract_precision<fp32>, transpose_lhs_hint = false} : vector<128x128xf32>, vector<128x64xf32>, vector<128x64xf32> -> vector<128x64xf32>
    %mul3A_47 = arith.mulf %slice3A_44, %dot_general3A_46 : vector<128x64xf32>
    %reduce_sum3A_48 = arith.constant dense<0.000000e+00> : vector<128xf32>
    %reduce_sum3A_49 = vector.multi_reduction <add>, %mul3A_47, %reduce_sum3A_48 [1] : vector<128x64xf32> to vector<128xf32>
    %broadcast_in_dim3A_50 = vector.shape_cast %reduce_sum3A_49 : vector<128xf32> to vector<128x1xf32>
    %mul3A_51 = vector.broadcast %add3A_43 : vector<1x64xf32> to vector<128x64xf32>
    %mul3A_52 = arith.mulf %slice3A_44, %mul3A_51 : vector<128x64xf32>
    %reduce_sum3A_53 = arith.constant dense<0.000000e+00> : vector<128xf32>
    %reduce_sum3A_54 = vector.multi_reduction <add>, %mul3A_52, %reduce_sum3A_53 [1] : vector<128x64xf32> to vector<128xf32>
    %broadcast_in_dim3A_55 = vector.shape_cast %reduce_sum3A_54 : vector<128xf32> to vector<128x1xf32>
    %slice3A_56 = vector.extract_strided_slice %dot_general3A_46 {offsets = [127, 0], sizes = [1, 64], strides = [1, 1]} : vector<128x64xf32> to vector<1x64xf32>
    %add3A_57 = arith.addf %add3A_43, %slice3A_56 : vector<1x64xf32>
    %slice3A_58 = vector.extract_strided_slice %convert_element_type3A_14 {offsets = [384, 0], sizes = [128, 64], strides = [1, 1]} : vector<4096x64xf32> to vector<128x64xf32>
    %dot_general3A_59 = arith.constant dense<0.000000e+00> : vector<128x64xf32>
    %dot_general3A_60 = tpu.matmul %convert_element_type3A_18, %slice3A_58, %dot_general3A_59 {dimension_numbers = #tpu.dot_dimension_numbers<[1], [0], [0], [1], [0, 0, 1, 1], [], []>, precision = #tpu.contract_precision<fp32>, transpose_lhs_hint = false} : vector<128x128xf32>, vector<128x64xf32>, vector<128x64xf32> -> vector<128x64xf32>
    %mul3A_61 = arith.mulf %slice3A_58, %dot_general3A_60 : vector<128x64xf32>
    %reduce_sum3A_62 = arith.constant dense<0.000000e+00> : vector<128xf32>
    %reduce_sum3A_63 = vector.multi_reduction <add>, %mul3A_61, %reduce_sum3A_62 [1] : vector<128x64xf32> to vector<128xf32>
    %broadcast_in_dim3A_64 = vector.shape_cast %reduce_sum3A_63 : vector<128xf32> to vector<128x1xf32>
    %mul3A_65 = vector.broadcast %add3A_57 : vector<1x64xf32> to vector<128x64xf32>
    %mul3A_66 = arith.mulf %slice3A_58, %mul3A_65 : vector<128x64xf32>
    %reduce_sum3A_67 = arith.constant dense<0.000000e+00> : vector<128xf32>
    %reduce_sum3A_68 = vector.multi_reduction <add>, %mul3A_66, %reduce_sum3A_67 [1] : vector<128x64xf32> to vector<128xf32>
    %broadcast_in_dim3A_69 = vector.shape_cast %reduce_sum3A_68 : vector<128xf32> to vector<128x1xf32>
    %slice3A_70 = vector.extract_strided_slice %dot_general3A_60 {offsets = [127, 0], sizes = [1, 64], strides = [1, 1]} : vector<128x64xf32> to vector<1x64xf32>
    %add3A_71 = arith.addf %add3A_57, %slice3A_70 : vector<1x64xf32>
    %slice3A_72 = vector.extract_strided_slice %convert_element_type3A_14 {offsets = [512, 0], sizes = [128, 64], strides = [1, 1]} : vector<4096x64xf32> to vector<128x64xf32>
    %dot_general3A_73 = arith.constant dense<0.000000e+00> : vector<128x64xf32>
    %dot_general3A_74 = tpu.matmul %convert_element_type3A_18, %slice3A_72, %dot_general3A_73 {dimension_numbers = #tpu.dot_dimension_numbers<[1], [0], [0], [1], [0, 0, 1, 1], [], []>, precision = #tpu.contract_precision<fp32>, transpose_lhs_hint = false} : vector<128x128xf32>, vector<128x64xf32>, vector<128x64xf32> -> vector<128x64xf32>
    %mul3A_75 = arith.mulf %slice3A_72, %dot_general3A_74 : vector<128x64xf32>
    %reduce_sum3A_76 = arith.constant dense<0.000000e+00> : vector<128xf32>
    %reduce_sum3A_77 = vector.multi_reduction <add>, %mul3A_75, %reduce_sum3A_76 [1] : vector<128x64xf32> to vector<128xf32>
    %broadcast_in_dim3A_78 = vector.shape_cast %reduce_sum3A_77 : vector<128xf32> to vector<128x1xf32>
    %mul3A_79 = vector.broadcast %add3A_71 : vector<1x64xf32> to vector<128x64xf32>
    %mul3A_80 = arith.mulf %slice3A_72, %mul3A_79 : vector<128x64xf32>
    %reduce_sum3A_81 = arith.constant dense<0.000000e+00> : vector<128xf32>
    %reduce_sum3A_82 = vector.multi_reduction <add>, %mul3A_80, %reduce_sum3A_81 [1] : vector<128x64xf32> to vector<128xf32>
    %broadcast_in_dim3A_83 = vector.shape_cast %reduce_sum3A_82 : vector<128xf32> to vector<128x1xf32>
    %slice3A_84 = vector.extract_strided_slice %dot_general3A_74 {offsets = [127, 0], sizes = [1, 64], strides = [1, 1]} : vector<128x64xf32> to vector<1x64xf32>
    %add3A_85 = arith.addf %add3A_71, %slice3A_84 : vector<1x64xf32>
    %slice3A_86 = vector.extract_strided_slice %convert_element_type3A_14 {offsets = [640, 0], sizes = [128, 64], strides = [1, 1]} : vector<4096x64xf32> to vector<128x64xf32>
    %dot_general3A_87 = arith.constant dense<0.000000e+00> : vector<128x64xf32>
    %dot_general3A_88 = tpu.matmul %convert_element_type3A_18, %slice3A_86, %dot_general3A_87 {dimension_numbers = #tpu.dot_dimension_numbers<[1], [0], [0], [1], [0, 0, 1, 1], [], []>, precision = #tpu.contract_precision<fp32>, transpose_lhs_hint = false} : vector<128x128xf32>, vector<128x64xf32>, vector<128x64xf32> -> vector<128x64xf32>
    %mul3A_89 = arith.mulf %slice3A_86, %dot_general3A_88 : vector<128x64xf32>
    %reduce_sum3A_90 = arith.constant dense<0.000000e+00> : vector<128xf32>
    %reduce_sum3A_91 = vector.multi_reduction <add>, %mul3A_89, %reduce_sum3A_90 [1] : vector<128x64xf32> to vector<128xf32>
    %broadcast_in_dim3A_92 = vector.shape_cast %reduce_sum3A_91 : vector<128xf32> to vector<128x1xf32>
    %mul3A_93 = vector.broadcast %add3A_85 : vector<1x64xf32> to vector<128x64xf32>
    %mul3A_94 = arith.mulf %slice3A_86, %mul3A_93 : vector<128x64xf32>
    %reduce_sum3A_95 = arith.constant dense<0.000000e+00> : vector<128xf32>
    %reduce_sum3A_96 = vector.multi_reduction <add>, %mul3A_94, %reduce_sum3A_95 [1] : vector<128x64xf32> to vector<128xf32>
    %broadcast_in_dim3A_97 = vector.shape_cast %reduce_sum3A_96 : vector<128xf32> to vector<128x1xf32>
    %slice3A_98 = vector.extract_strided_slice %dot_general3A_88 {offsets = [127, 0], sizes = [1, 64], strides = [1, 1]} : vector<128x64xf32> to vector<1x64xf32>
    %add3A_99 = arith.addf %add3A_85, %slice3A_98 : vector<1x64xf32>
    %slice3A_100 = vector.extract_strided_slice %convert_element_type3A_14 {offsets = [768, 0], sizes = [128, 64], strides = [1, 1]} : vector<4096x64xf32> to vector<128x64xf32>
    %dot_general3A_101 = arith.constant dense<0.000000e+00> : vector<128x64xf32>
    %dot_general3A_102 = tpu.matmul %convert_element_type3A_18, %slice3A_100, %dot_general3A_101 {dimension_numbers = #tpu.dot_dimension_numbers<[1], [0], [0], [1], [0, 0, 1, 1], [], []>, precision = #tpu.contract_precision<fp32>, transpose_lhs_hint = false} : vector<128x128xf32>, vector<128x64xf32>, vector<128x64xf32> -> vector<128x64xf32>
    %mul3A_103 = arith.mulf %slice3A_100, %dot_general3A_102 : vector<128x64xf32>
    %reduce_sum3A_104 = arith.constant dense<0.000000e+00> : vector<128xf32>
    %reduce_sum3A_105 = vector.multi_reduction <add>, %mul3A_103, %reduce_sum3A_104 [1] : vector<128x64xf32> to vector<128xf32>
    %broadcast_in_dim3A_106 = vector.shape_cast %reduce_sum3A_105 : vector<128xf32> to vector<128x1xf32>
    %mul3A_107 = vector.broadcast %add3A_99 : vector<1x64xf32> to vector<128x64xf32>
    %mul3A_108 = arith.mulf %slice3A_100, %mul3A_107 : vector<128x64xf32>
    %reduce_sum3A_109 = arith.constant dense<0.000000e+00> : vector<128xf32>
    %reduce_sum3A_110 = vector.multi_reduction <add>, %mul3A_108, %reduce_sum3A_109 [1] : vector<128x64xf32> to vector<128xf32>
    %broadcast_in_dim3A_111 = vector.shape_cast %reduce_sum3A_110 : vector<128xf32> to vector<128x1xf32>
    %slice3A_112 = vector.extract_strided_slice %dot_general3A_102 {offsets = [127, 0], sizes = [1, 64], strides = [1, 1]} : vector<128x64xf32> to vector<1x64xf32>
    %add3A_113 = arith.addf %add3A_99, %slice3A_112 : vector<1x64xf32>
    %slice3A_114 = vector.extract_strided_slice %convert_element_type3A_14 {offsets = [896, 0], sizes = [128, 64], strides = [1, 1]} : vector<4096x64xf32> to vector<128x64xf32>
    %dot_general3A_115 = arith.constant dense<0.000000e+00> : vector<128x64xf32>
    %dot_general3A_116 = tpu.matmul %convert_element_type3A_18, %slice3A_114, %dot_general3A_115 {dimension_numbers = #tpu.dot_dimension_numbers<[1], [0], [0], [1], [0, 0, 1, 1], [], []>, precision = #tpu.contract_precision<fp32>, transpose_lhs_hint = false} : vector<128x128xf32>, vector<128x64xf32>, vector<128x64xf32> -> vector<128x64xf32>
    %mul3A_117 = arith.mulf %slice3A_114, %dot_general3A_116 : vector<128x64xf32>
    %reduce_sum3A_118 = arith.constant dense<0.000000e+00> : vector<128xf32>
    %reduce_sum3A_119 = vector.multi_reduction <add>, %mul3A_117, %reduce_sum3A_118 [1] : vector<128x64xf32> to vector<128xf32>
    %broadcast_in_dim3A_120 = vector.shape_cast %reduce_sum3A_119 : vector<128xf32> to vector<128x1xf32>
    %mul3A_121 = vector.broadcast %add3A_113 : vector<1x64xf32> to vector<128x64xf32>
    %mul3A_122 = arith.mulf %slice3A_114, %mul3A_121 : vector<128x64xf32>
    %reduce_sum3A_123 = arith.constant dense<0.000000e+00> : vector<128xf32>
    %reduce_sum3A_124 = vector.multi_reduction <add>, %mul3A_122, %reduce_sum3A_123 [1] : vector<128x64xf32> to vector<128xf32>
    %broadcast_in_dim3A_125 = vector.shape_cast %reduce_sum3A_124 : vector<128xf32> to vector<128x1xf32>
    %slice3A_126 = vector.extract_strided_slice %dot_general3A_116 {offsets = [127, 0], sizes = [1, 64], strides = [1, 1]} : vector<128x64xf32> to vector<1x64xf32>
    %add3A_127 = arith.addf %add3A_113, %slice3A_126 : vector<1x64xf32>
    %slice3A_128 = vector.extract_strided_slice %convert_element_type3A_14 {offsets = [1024, 0], sizes = [128, 64], strides = [1, 1]} : vector<4096x64xf32> to vector<128x64xf32>
    %dot_general3A_129 = arith.constant dense<0.000000e+00> : vector<128x64xf32>
    %dot_general3A_130 = tpu.matmul %convert_element_type3A_18, %slice3A_128, %dot_general3A_129 {dimension_numbers = #tpu.dot_dimension_numbers<[1], [0], [0], [1], [0, 0, 1, 1], [], []>, precision = #tpu.contract_precision<fp32>, transpose_lhs_hint = false} : vector<128x128xf32>, vector<128x64xf32>, vector<128x64xf32> -> vector<128x64xf32>
    %mul3A_131 = arith.mulf %slice3A_128, %dot_general3A_130 : vector<128x64xf32>
    %reduce_sum3A_132 = arith.constant dense<0.000000e+00> : vector<128xf32>
    %reduce_sum3A_133 = vector.multi_reduction <add>, %mul3A_131, %reduce_sum3A_132 [1] : vector<128x64xf32> to vector<128xf32>
    %broadcast_in_dim3A_134 = vector.shape_cast %reduce_sum3A_133 : vector<128xf32> to vector<128x1xf32>
    %mul3A_135 = vector.broadcast %add3A_127 : vector<1x64xf32> to vector<128x64xf32>
    %mul3A_136 = arith.mulf %slice3A_128, %mul3A_135 : vector<128x64xf32>
    %reduce_sum3A_137 = arith.constant dense<0.000000e+00> : vector<128xf32>
    %reduce_sum3A_138 = vector.multi_reduction <add>, %mul3A_136, %reduce_sum3A_137 [1] : vector<128x64xf32> to vector<128xf32>
    %broadcast_in_dim3A_139 = vector.shape_cast %reduce_sum3A_138 : vector<128xf32> to vector<128x1xf32>
    %slice3A_140 = vector.extract_strided_slice %dot_general3A_130 {offsets = [127, 0], sizes = [1, 64], strides = [1, 1]} : vector<128x64xf32> to vector<1x64xf32>
    %add3A_141 = arith.addf %add3A_127, %slice3A_140 : vector<1x64xf32>
    %slice3A_142 = vector.extract_strided_slice %convert_element_type3A_14 {offsets = [1152, 0], sizes = [128, 64], strides = [1, 1]} : vector<4096x64xf32> to vector<128x64xf32>
    %dot_general3A_143 = arith.constant dense<0.000000e+00> : vector<128x64xf32>
    %dot_general3A_144 = tpu.matmul %convert_element_type3A_18, %slice3A_142, %dot_general3A_143 {dimension_numbers = #tpu.dot_dimension_numbers<[1], [0], [0], [1], [0, 0, 1, 1], [], []>, precision = #tpu.contract_precision<fp32>, transpose_lhs_hint = false} : vector<128x128xf32>, vector<128x64xf32>, vector<128x64xf32> -> vector<128x64xf32>
    %mul3A_145 = arith.mulf %slice3A_142, %dot_general3A_144 : vector<128x64xf32>
    %reduce_sum3A_146 = arith.constant dense<0.000000e+00> : vector<128xf32>
    %reduce_sum3A_147 = vector.multi_reduction <add>, %mul3A_145, %reduce_sum3A_146 [1] : vector<128x64xf32> to vector<128xf32>
    %broadcast_in_dim3A_148 = vector.shape_cast %reduce_sum3A_147 : vector<128xf32> to vector<128x1xf32>
    %mul3A_149 = vector.broadcast %add3A_141 : vector<1x64xf32> to vector<128x64xf32>
    %mul3A_150 = arith.mulf %slice3A_142, %mul3A_149 : vector<128x64xf32>
    %reduce_sum3A_151 = arith.constant dense<0.000000e+00> : vector<128xf32>
    %reduce_sum3A_152 = vector.multi_reduction <add>, %mul3A_150, %reduce_sum3A_151 [1] : vector<128x64xf32> to vector<128xf32>
    %broadcast_in_dim3A_153 = vector.shape_cast %reduce_sum3A_152 : vector<128xf32> to vector<128x1xf32>
    %slice3A_154 = vector.extract_strided_slice %dot_general3A_144 {offsets = [127, 0], sizes = [1, 64], strides = [1, 1]} : vector<128x64xf32> to vector<1x64xf32>
    %add3A_155 = arith.addf %add3A_141, %slice3A_154 : vector<1x64xf32>
    %slice3A_156 = vector.extract_strided_slice %convert_element_type3A_14 {offsets = [1280, 0], sizes = [128, 64], strides = [1, 1]} : vector<4096x64xf32> to vector<128x64xf32>
    %dot_general3A_157 = arith.constant dense<0.000000e+00> : vector<128x64xf32>
    %dot_general3A_158 = tpu.matmul %convert_element_type3A_18, %slice3A_156, %dot_general3A_157 {dimension_numbers = #tpu.dot_dimension_numbers<[1], [0], [0], [1], [0, 0, 1, 1], [], []>, precision = #tpu.contract_precision<fp32>, transpose_lhs_hint = false} : vector<128x128xf32>, vector<128x64xf32>, vector<128x64xf32> -> vector<128x64xf32>
    %mul3A_159 = arith.mulf %slice3A_156, %dot_general3A_158 : vector<128x64xf32>
    %reduce_sum3A_160 = arith.constant dense<0.000000e+00> : vector<128xf32>
    %reduce_sum3A_161 = vector.multi_reduction <add>, %mul3A_159, %reduce_sum3A_160 [1] : vector<128x64xf32> to vector<128xf32>
    %broadcast_in_dim3A_162 = vector.shape_cast %reduce_sum3A_161 : vector<128xf32> to vector<128x1xf32>
    %mul3A_163 = vector.broadcast %add3A_155 : vector<1x64xf32> to vector<128x64xf32>
    %mul3A_164 = arith.mulf %slice3A_156, %mul3A_163 : vector<128x64xf32>
    %reduce_sum3A_165 = arith.constant dense<0.000000e+00> : vector<128xf32>
    %reduce_sum3A_166 = vector.multi_reduction <add>, %mul3A_164, %reduce_sum3A_165 [1] : vector<128x64xf32> to vector<128xf32>
    %broadcast_in_dim3A_167 = vector.shape_cast %reduce_sum3A_166 : vector<128xf32> to vector<128x1xf32>
    %slice3A_168 = vector.extract_strided_slice %dot_general3A_158 {offsets = [127, 0], sizes = [1, 64], strides = [1, 1]} : vector<128x64xf32> to vector<1x64xf32>
    %add3A_169 = arith.addf %add3A_155, %slice3A_168 : vector<1x64xf32>
    %slice3A_170 = vector.extract_strided_slice %convert_element_type3A_14 {offsets = [1408, 0], sizes = [128, 64], strides = [1, 1]} : vector<4096x64xf32> to vector<128x64xf32>
    %dot_general3A_171 = arith.constant dense<0.000000e+00> : vector<128x64xf32>
    %dot_general3A_172 = tpu.matmul %convert_element_type3A_18, %slice3A_170, %dot_general3A_171 {dimension_numbers = #tpu.dot_dimension_numbers<[1], [0], [0], [1], [0, 0, 1, 1], [], []>, precision = #tpu.contract_precision<fp32>, transpose_lhs_hint = false} : vector<128x128xf32>, vector<128x64xf32>, vector<128x64xf32> -> vector<128x64xf32>
    %mul3A_173 = arith.mulf %slice3A_170, %dot_general3A_172 : vector<128x64xf32>
    %reduce_sum3A_174 = arith.constant dense<0.000000e+00> : vector<128xf32>
    %reduce_sum3A_175 = vector.multi_reduction <add>, %mul3A_173, %reduce_sum3A_174 [1] : vector<128x64xf32> to vector<128xf32>
    %broadcast_in_dim3A_176 = vector.shape_cast %reduce_sum3A_175 : vector<128xf32> to vector<128x1xf32>
    %mul3A_177 = vector.broadcast %add3A_169 : vector<1x64xf32> to vector<128x64xf32>
    %mul3A_178 = arith.mulf %slice3A_170, %mul3A_177 : vector<128x64xf32>
    %reduce_sum3A_179 = arith.constant dense<0.000000e+00> : vector<128xf32>
    %reduce_sum3A_180 = vector.multi_reduction <add>, %mul3A_178, %reduce_sum3A_179 [1] : vector<128x64xf32> to vector<128xf32>
    %broadcast_in_dim3A_181 = vector.shape_cast %reduce_sum3A_180 : vector<128xf32> to vector<128x1xf32>
    %slice3A_182 = vector.extract_strided_slice %dot_general3A_172 {offsets = [127, 0], sizes = [1, 64], strides = [1, 1]} : vector<128x64xf32> to vector<1x64xf32>
    %add3A_183 = arith.addf %add3A_169, %slice3A_182 : vector<1x64xf32>
    %slice3A_184 = vector.extract_strided_slice %convert_element_type3A_14 {offsets = [1536, 0], sizes = [128, 64], strides = [1, 1]} : vector<4096x64xf32> to vector<128x64xf32>
    %dot_general3A_185 = arith.constant dense<0.000000e+00> : vector<128x64xf32>
    %dot_general3A_186 = tpu.matmul %convert_element_type3A_18, %slice3A_184, %dot_general3A_185 {dimension_numbers = #tpu.dot_dimension_numbers<[1], [0], [0], [1], [0, 0, 1, 1], [], []>, precision = #tpu.contract_precision<fp32>, transpose_lhs_hint = false} : vector<128x128xf32>, vector<128x64xf32>, vector<128x64xf32> -> vector<128x64xf32>
    %mul3A_187 = arith.mulf %slice3A_184, %dot_general3A_186 : vector<128x64xf32>
    %reduce_sum3A_188 = arith.constant dense<0.000000e+00> : vector<128xf32>
    %reduce_sum3A_189 = vector.multi_reduction <add>, %mul3A_187, %reduce_sum3A_188 [1] : vector<128x64xf32> to vector<128xf32>
    %broadcast_in_dim3A_190 = vector.shape_cast %reduce_sum3A_189 : vector<128xf32> to vector<128x1xf32>
    %mul3A_191 = vector.broadcast %add3A_183 : vector<1x64xf32> to vector<128x64xf32>
    %mul3A_192 = arith.mulf %slice3A_184, %mul3A_191 : vector<128x64xf32>
    %reduce_sum3A_193 = arith.constant dense<0.000000e+00> : vector<128xf32>
    %reduce_sum3A_194 = vector.multi_reduction <add>, %mul3A_192, %reduce_sum3A_193 [1] : vector<128x64xf32> to vector<128xf32>
    %broadcast_in_dim3A_195 = vector.shape_cast %reduce_sum3A_194 : vector<128xf32> to vector<128x1xf32>
    %slice3A_196 = vector.extract_strided_slice %dot_general3A_186 {offsets = [127, 0], sizes = [1, 64], strides = [1, 1]} : vector<128x64xf32> to vector<1x64xf32>
    %add3A_197 = arith.addf %add3A_183, %slice3A_196 : vector<1x64xf32>
    %slice3A_198 = vector.extract_strided_slice %convert_element_type3A_14 {offsets = [1664, 0], sizes = [128, 64], strides = [1, 1]} : vector<4096x64xf32> to vector<128x64xf32>
    %dot_general3A_199 = arith.constant dense<0.000000e+00> : vector<128x64xf32>
    %dot_general3A_200 = tpu.matmul %convert_element_type3A_18, %slice3A_198, %dot_general3A_199 {dimension_numbers = #tpu.dot_dimension_numbers<[1], [0], [0], [1], [0, 0, 1, 1], [], []>, precision = #tpu.contract_precision<fp32>, transpose_lhs_hint = false} : vector<128x128xf32>, vector<128x64xf32>, vector<128x64xf32> -> vector<128x64xf32>
    %mul3A_201 = arith.mulf %slice3A_198, %dot_general3A_200 : vector<128x64xf32>
    %reduce_sum3A_202 = arith.constant dense<0.000000e+00> : vector<128xf32>
    %reduce_sum3A_203 = vector.multi_reduction <add>, %mul3A_201, %reduce_sum3A_202 [1] : vector<128x64xf32> to vector<128xf32>
    %broadcast_in_dim3A_204 = vector.shape_cast %reduce_sum3A_203 : vector<128xf32> to vector<128x1xf32>
    %mul3A_205 = vector.broadcast %add3A_197 : vector<1x64xf32> to vector<128x64xf32>
    %mul3A_206 = arith.mulf %slice3A_198, %mul3A_205 : vector<128x64xf32>
    %reduce_sum3A_207 = arith.constant dense<0.000000e+00> : vector<128xf32>
    %reduce_sum3A_208 = vector.multi_reduction <add>, %mul3A_206, %reduce_sum3A_207 [1] : vector<128x64xf32> to vector<128xf32>
    %broadcast_in_dim3A_209 = vector.shape_cast %reduce_sum3A_208 : vector<128xf32> to vector<128x1xf32>
    %slice3A_210 = vector.extract_strided_slice %dot_general3A_200 {offsets = [127, 0], sizes = [1, 64], strides = [1, 1]} : vector<128x64xf32> to vector<1x64xf32>
    %add3A_211 = arith.addf %add3A_197, %slice3A_210 : vector<1x64xf32>
    %slice3A_212 = vector.extract_strided_slice %convert_element_type3A_14 {offsets = [1792, 0], sizes = [128, 64], strides = [1, 1]} : vector<4096x64xf32> to vector<128x64xf32>
    %dot_general3A_213 = arith.constant dense<0.000000e+00> : vector<128x64xf32>
    %dot_general3A_214 = tpu.matmul %convert_element_type3A_18, %slice3A_212, %dot_general3A_213 {dimension_numbers = #tpu.dot_dimension_numbers<[1], [0], [0], [1], [0, 0, 1, 1], [], []>, precision = #tpu.contract_precision<fp32>, transpose_lhs_hint = false} : vector<128x128xf32>, vector<128x64xf32>, vector<128x64xf32> -> vector<128x64xf32>
    %mul3A_215 = arith.mulf %slice3A_212, %dot_general3A_214 : vector<128x64xf32>
    %reduce_sum3A_216 = arith.constant dense<0.000000e+00> : vector<128xf32>
    %reduce_sum3A_217 = vector.multi_reduction <add>, %mul3A_215, %reduce_sum3A_216 [1] : vector<128x64xf32> to vector<128xf32>
    %broadcast_in_dim3A_218 = vector.shape_cast %reduce_sum3A_217 : vector<128xf32> to vector<128x1xf32>
    %mul3A_219 = vector.broadcast %add3A_211 : vector<1x64xf32> to vector<128x64xf32>
    %mul3A_220 = arith.mulf %slice3A_212, %mul3A_219 : vector<128x64xf32>
    %reduce_sum3A_221 = arith.constant dense<0.000000e+00> : vector<128xf32>
    %reduce_sum3A_222 = vector.multi_reduction <add>, %mul3A_220, %reduce_sum3A_221 [1] : vector<128x64xf32> to vector<128xf32>
    %broadcast_in_dim3A_223 = vector.shape_cast %reduce_sum3A_222 : vector<128xf32> to vector<128x1xf32>
    %slice3A_224 = vector.extract_strided_slice %dot_general3A_214 {offsets = [127, 0], sizes = [1, 64], strides = [1, 1]} : vector<128x64xf32> to vector<1x64xf32>
    %add3A_225 = arith.addf %add3A_211, %slice3A_224 : vector<1x64xf32>
    %slice3A_226 = vector.extract_strided_slice %convert_element_type3A_14 {offsets = [1920, 0], sizes = [128, 64], strides = [1, 1]} : vector<4096x64xf32> to vector<128x64xf32>
    %dot_general3A_227 = arith.constant dense<0.000000e+00> : vector<128x64xf32>
    %dot_general3A_228 = tpu.matmul %convert_element_type3A_18, %slice3A_226, %dot_general3A_227 {dimension_numbers = #tpu.dot_dimension_numbers<[1], [0], [0], [1], [0, 0, 1, 1], [], []>, precision = #tpu.contract_precision<fp32>, transpose_lhs_hint = false} : vector<128x128xf32>, vector<128x64xf32>, vector<128x64xf32> -> vector<128x64xf32>
    %mul3A_229 = arith.mulf %slice3A_226, %dot_general3A_228 : vector<128x64xf32>
    %reduce_sum3A_230 = arith.constant dense<0.000000e+00> : vector<128xf32>
    %reduce_sum3A_231 = vector.multi_reduction <add>, %mul3A_229, %reduce_sum3A_230 [1] : vector<128x64xf32> to vector<128xf32>
    %broadcast_in_dim3A_232 = vector.shape_cast %reduce_sum3A_231 : vector<128xf32> to vector<128x1xf32>
    %mul3A_233 = vector.broadcast %add3A_225 : vector<1x64xf32> to vector<128x64xf32>
    %mul3A_234 = arith.mulf %slice3A_226, %mul3A_233 : vector<128x64xf32>
    %reduce_sum3A_235 = arith.constant dense<0.000000e+00> : vector<128xf32>
    %reduce_sum3A_236 = vector.multi_reduction <add>, %mul3A_234, %reduce_sum3A_235 [1] : vector<128x64xf32> to vector<128xf32>
    %broadcast_in_dim3A_237 = vector.shape_cast %reduce_sum3A_236 : vector<128xf32> to vector<128x1xf32>
    %slice3A_238 = vector.extract_strided_slice %dot_general3A_228 {offsets = [127, 0], sizes = [1, 64], strides = [1, 1]} : vector<128x64xf32> to vector<1x64xf32>
    %add3A_239 = arith.addf %add3A_225, %slice3A_238 : vector<1x64xf32>
    %slice3A_240 = vector.extract_strided_slice %convert_element_type3A_14 {offsets = [2048, 0], sizes = [128, 64], strides = [1, 1]} : vector<4096x64xf32> to vector<128x64xf32>
    %dot_general3A_241 = arith.constant dense<0.000000e+00> : vector<128x64xf32>
    %dot_general3A_242 = tpu.matmul %convert_element_type3A_18, %slice3A_240, %dot_general3A_241 {dimension_numbers = #tpu.dot_dimension_numbers<[1], [0], [0], [1], [0, 0, 1, 1], [], []>, precision = #tpu.contract_precision<fp32>, transpose_lhs_hint = false} : vector<128x128xf32>, vector<128x64xf32>, vector<128x64xf32> -> vector<128x64xf32>
    %mul3A_243 = arith.mulf %slice3A_240, %dot_general3A_242 : vector<128x64xf32>
    %reduce_sum3A_244 = arith.constant dense<0.000000e+00> : vector<128xf32>
    %reduce_sum3A_245 = vector.multi_reduction <add>, %mul3A_243, %reduce_sum3A_244 [1] : vector<128x64xf32> to vector<128xf32>
    %broadcast_in_dim3A_246 = vector.shape_cast %reduce_sum3A_245 : vector<128xf32> to vector<128x1xf32>
    %mul3A_247 = vector.broadcast %add3A_239 : vector<1x64xf32> to vector<128x64xf32>
    %mul3A_248 = arith.mulf %slice3A_240, %mul3A_247 : vector<128x64xf32>
    %reduce_sum3A_249 = arith.constant dense<0.000000e+00> : vector<128xf32>
    %reduce_sum3A_250 = vector.multi_reduction <add>, %mul3A_248, %reduce_sum3A_249 [1] : vector<128x64xf32> to vector<128xf32>
    %broadcast_in_dim3A_251 = vector.shape_cast %reduce_sum3A_250 : vector<128xf32> to vector<128x1xf32>
    %slice3A_252 = vector.extract_strided_slice %dot_general3A_242 {offsets = [127, 0], sizes = [1, 64], strides = [1, 1]} : vector<128x64xf32> to vector<1x64xf32>
    %add3A_253 = arith.addf %add3A_239, %slice3A_252 : vector<1x64xf32>
    %slice3A_254 = vector.extract_strided_slice %convert_element_type3A_14 {offsets = [2176, 0], sizes = [128, 64], strides = [1, 1]} : vector<4096x64xf32> to vector<128x64xf32>
    %dot_general3A_255 = arith.constant dense<0.000000e+00> : vector<128x64xf32>
    %dot_general3A_256 = tpu.matmul %convert_element_type3A_18, %slice3A_254, %dot_general3A_255 {dimension_numbers = #tpu.dot_dimension_numbers<[1], [0], [0], [1], [0, 0, 1, 1], [], []>, precision = #tpu.contract_precision<fp32>, transpose_lhs_hint = false} : vector<128x128xf32>, vector<128x64xf32>, vector<128x64xf32> -> vector<128x64xf32>
    %mul3A_257 = arith.mulf %slice3A_254, %dot_general3A_256 : vector<128x64xf32>
    %reduce_sum3A_258 = arith.constant dense<0.000000e+00> : vector<128xf32>
    %reduce_sum3A_259 = vector.multi_reduction <add>, %mul3A_257, %reduce_sum3A_258 [1] : vector<128x64xf32> to vector<128xf32>
    %broadcast_in_dim3A_260 = vector.shape_cast %reduce_sum3A_259 : vector<128xf32> to vector<128x1xf32>
    %mul3A_261 = vector.broadcast %add3A_253 : vector<1x64xf32> to vector<128x64xf32>
    %mul3A_262 = arith.mulf %slice3A_254, %mul3A_261 : vector<128x64xf32>
    %reduce_sum3A_263 = arith.constant dense<0.000000e+00> : vector<128xf32>
    %reduce_sum3A_264 = vector.multi_reduction <add>, %mul3A_262, %reduce_sum3A_263 [1] : vector<128x64xf32> to vector<128xf32>
    %broadcast_in_dim3A_265 = vector.shape_cast %reduce_sum3A_264 : vector<128xf32> to vector<128x1xf32>
    %slice3A_266 = vector.extract_strided_slice %dot_general3A_256 {offsets = [127, 0], sizes = [1, 64], strides = [1, 1]} : vector<128x64xf32> to vector<1x64xf32>
    %add3A_267 = arith.addf %add3A_253, %slice3A_266 : vector<1x64xf32>
    %slice3A_268 = vector.extract_strided_slice %convert_element_type3A_14 {offsets = [2304, 0], sizes = [128, 64], strides = [1, 1]} : vector<4096x64xf32> to vector<128x64xf32>
    %dot_general3A_269 = arith.constant dense<0.000000e+00> : vector<128x64xf32>
    %dot_general3A_270 = tpu.matmul %convert_element_type3A_18, %slice3A_268, %dot_general3A_269 {dimension_numbers = #tpu.dot_dimension_numbers<[1], [0], [0], [1], [0, 0, 1, 1], [], []>, precision = #tpu.contract_precision<fp32>, transpose_lhs_hint = false} : vector<128x128xf32>, vector<128x64xf32>, vector<128x64xf32> -> vector<128x64xf32>
    %mul3A_271 = arith.mulf %slice3A_268, %dot_general3A_270 : vector<128x64xf32>
    %reduce_sum3A_272 = arith.constant dense<0.000000e+00> : vector<128xf32>
    %reduce_sum3A_273 = vector.multi_reduction <add>, %mul3A_271, %reduce_sum3A_272 [1] : vector<128x64xf32> to vector<128xf32>
    %broadcast_in_dim3A_274 = vector.shape_cast %reduce_sum3A_273 : vector<128xf32> to vector<128x1xf32>
    %mul3A_275 = vector.broadcast %add3A_267 : vector<1x64xf32> to vector<128x64xf32>
    %mul3A_276 = arith.mulf %slice3A_268, %mul3A_275 : vector<128x64xf32>
    %reduce_sum3A_277 = arith.constant dense<0.000000e+00> : vector<128xf32>
    %reduce_sum3A_278 = vector.multi_reduction <add>, %mul3A_276, %reduce_sum3A_277 [1] : vector<128x64xf32> to vector<128xf32>
    %broadcast_in_dim3A_279 = vector.shape_cast %reduce_sum3A_278 : vector<128xf32> to vector<128x1xf32>
    %slice3A_280 = vector.extract_strided_slice %dot_general3A_270 {offsets = [127, 0], sizes = [1, 64], strides = [1, 1]} : vector<128x64xf32> to vector<1x64xf32>
    %add3A_281 = arith.addf %add3A_267, %slice3A_280 : vector<1x64xf32>
    %slice3A_282 = vector.extract_strided_slice %convert_element_type3A_14 {offsets = [2432, 0], sizes = [128, 64], strides = [1, 1]} : vector<4096x64xf32> to vector<128x64xf32>
    %dot_general3A_283 = arith.constant dense<0.000000e+00> : vector<128x64xf32>
    %dot_general3A_284 = tpu.matmul %convert_element_type3A_18, %slice3A_282, %dot_general3A_283 {dimension_numbers = #tpu.dot_dimension_numbers<[1], [0], [0], [1], [0, 0, 1, 1], [], []>, precision = #tpu.contract_precision<fp32>, transpose_lhs_hint = false} : vector<128x128xf32>, vector<128x64xf32>, vector<128x64xf32> -> vector<128x64xf32>
    %mul3A_285 = arith.mulf %slice3A_282, %dot_general3A_284 : vector<128x64xf32>
    %reduce_sum3A_286 = arith.constant dense<0.000000e+00> : vector<128xf32>
    %reduce_sum3A_287 = vector.multi_reduction <add>, %mul3A_285, %reduce_sum3A_286 [1] : vector<128x64xf32> to vector<128xf32>
    %broadcast_in_dim3A_288 = vector.shape_cast %reduce_sum3A_287 : vector<128xf32> to vector<128x1xf32>
    %mul3A_289 = vector.broadcast %add3A_281 : vector<1x64xf32> to vector<128x64xf32>
    %mul3A_290 = arith.mulf %slice3A_282, %mul3A_289 : vector<128x64xf32>
    %reduce_sum3A_291 = arith.constant dense<0.000000e+00> : vector<128xf32>
    %reduce_sum3A_292 = vector.multi_reduction <add>, %mul3A_290, %reduce_sum3A_291 [1] : vector<128x64xf32> to vector<128xf32>
    %broadcast_in_dim3A_293 = vector.shape_cast %reduce_sum3A_292 : vector<128xf32> to vector<128x1xf32>
    %slice3A_294 = vector.extract_strided_slice %dot_general3A_284 {offsets = [127, 0], sizes = [1, 64], strides = [1, 1]} : vector<128x64xf32> to vector<1x64xf32>
    %add3A_295 = arith.addf %add3A_281, %slice3A_294 : vector<1x64xf32>
    %slice3A_296 = vector.extract_strided_slice %convert_element_type3A_14 {offsets = [2560, 0], sizes = [128, 64], strides = [1, 1]} : vector<4096x64xf32> to vector<128x64xf32>
    %dot_general3A_297 = arith.constant dense<0.000000e+00> : vector<128x64xf32>
    %dot_general3A_298 = tpu.matmul %convert_element_type3A_18, %slice3A_296, %dot_general3A_297 {dimension_numbers = #tpu.dot_dimension_numbers<[1], [0], [0], [1], [0, 0, 1, 1], [], []>, precision = #tpu.contract_precision<fp32>, transpose_lhs_hint = false} : vector<128x128xf32>, vector<128x64xf32>, vector<128x64xf32> -> vector<128x64xf32>
    %mul3A_299 = arith.mulf %slice3A_296, %dot_general3A_298 : vector<128x64xf32>
    %reduce_sum3A_300 = arith.constant dense<0.000000e+00> : vector<128xf32>
    %reduce_sum3A_301 = vector.multi_reduction <add>, %mul3A_299, %reduce_sum3A_300 [1] : vector<128x64xf32> to vector<128xf32>
    %broadcast_in_dim3A_302 = vector.shape_cast %reduce_sum3A_301 : vector<128xf32> to vector<128x1xf32>
    %mul3A_303 = vector.broadcast %add3A_295 : vector<1x64xf32> to vector<128x64xf32>
    %mul3A_304 = arith.mulf %slice3A_296, %mul3A_303 : vector<128x64xf32>
    %reduce_sum3A_305 = arith.constant dense<0.000000e+00> : vector<128xf32>
    %reduce_sum3A_306 = vector.multi_reduction <add>, %mul3A_304, %reduce_sum3A_305 [1] : vector<128x64xf32> to vector<128xf32>
    %broadcast_in_dim3A_307 = vector.shape_cast %reduce_sum3A_306 : vector<128xf32> to vector<128x1xf32>
    %slice3A_308 = vector.extract_strided_slice %dot_general3A_298 {offsets = [127, 0], sizes = [1, 64], strides = [1, 1]} : vector<128x64xf32> to vector<1x64xf32>
    %add3A_309 = arith.addf %add3A_295, %slice3A_308 : vector<1x64xf32>
    %slice3A_310 = vector.extract_strided_slice %convert_element_type3A_14 {offsets = [2688, 0], sizes = [128, 64], strides = [1, 1]} : vector<4096x64xf32> to vector<128x64xf32>
    %dot_general3A_311 = arith.constant dense<0.000000e+00> : vector<128x64xf32>
    %dot_general3A_312 = tpu.matmul %convert_element_type3A_18, %slice3A_310, %dot_general3A_311 {dimension_numbers = #tpu.dot_dimension_numbers<[1], [0], [0], [1], [0, 0, 1, 1], [], []>, precision = #tpu.contract_precision<fp32>, transpose_lhs_hint = false} : vector<128x128xf32>, vector<128x64xf32>, vector<128x64xf32> -> vector<128x64xf32>
    %mul3A_313 = arith.mulf %slice3A_310, %dot_general3A_312 : vector<128x64xf32>
    %reduce_sum3A_314 = arith.constant dense<0.000000e+00> : vector<128xf32>
    %reduce_sum3A_315 = vector.multi_reduction <add>, %mul3A_313, %reduce_sum3A_314 [1] : vector<128x64xf32> to vector<128xf32>
    %broadcast_in_dim3A_316 = vector.shape_cast %reduce_sum3A_315 : vector<128xf32> to vector<128x1xf32>
    %mul3A_317 = vector.broadcast %add3A_309 : vector<1x64xf32> to vector<128x64xf32>
    %mul3A_318 = arith.mulf %slice3A_310, %mul3A_317 : vector<128x64xf32>
    %reduce_sum3A_319 = arith.constant dense<0.000000e+00> : vector<128xf32>
    %reduce_sum3A_320 = vector.multi_reduction <add>, %mul3A_318, %reduce_sum3A_319 [1] : vector<128x64xf32> to vector<128xf32>
    %broadcast_in_dim3A_321 = vector.shape_cast %reduce_sum3A_320 : vector<128xf32> to vector<128x1xf32>
    %slice3A_322 = vector.extract_strided_slice %dot_general3A_312 {offsets = [127, 0], sizes = [1, 64], strides = [1, 1]} : vector<128x64xf32> to vector<1x64xf32>
    %add3A_323 = arith.addf %add3A_309, %slice3A_322 : vector<1x64xf32>
    %slice3A_324 = vector.extract_strided_slice %convert_element_type3A_14 {offsets = [2816, 0], sizes = [128, 64], strides = [1, 1]} : vector<4096x64xf32> to vector<128x64xf32>
    %dot_general3A_325 = arith.constant dense<0.000000e+00> : vector<128x64xf32>
    %dot_general3A_326 = tpu.matmul %convert_element_type3A_18, %slice3A_324, %dot_general3A_325 {dimension_numbers = #tpu.dot_dimension_numbers<[1], [0], [0], [1], [0, 0, 1, 1], [], []>, precision = #tpu.contract_precision<fp32>, transpose_lhs_hint = false} : vector<128x128xf32>, vector<128x64xf32>, vector<128x64xf32> -> vector<128x64xf32>
    %mul3A_327 = arith.mulf %slice3A_324, %dot_general3A_326 : vector<128x64xf32>
    %reduce_sum3A_328 = arith.constant dense<0.000000e+00> : vector<128xf32>
    %reduce_sum3A_329 = vector.multi_reduction <add>, %mul3A_327, %reduce_sum3A_328 [1] : vector<128x64xf32> to vector<128xf32>
    %broadcast_in_dim3A_330 = vector.shape_cast %reduce_sum3A_329 : vector<128xf32> to vector<128x1xf32>
    %mul3A_331 = vector.broadcast %add3A_323 : vector<1x64xf32> to vector<128x64xf32>
    %mul3A_332 = arith.mulf %slice3A_324, %mul3A_331 : vector<128x64xf32>
    %reduce_sum3A_333 = arith.constant dense<0.000000e+00> : vector<128xf32>
    %reduce_sum3A_334 = vector.multi_reduction <add>, %mul3A_332, %reduce_sum3A_333 [1] : vector<128x64xf32> to vector<128xf32>
    %broadcast_in_dim3A_335 = vector.shape_cast %reduce_sum3A_334 : vector<128xf32> to vector<128x1xf32>
    %slice3A_336 = vector.extract_strided_slice %dot_general3A_326 {offsets = [127, 0], sizes = [1, 64], strides = [1, 1]} : vector<128x64xf32> to vector<1x64xf32>
    %add3A_337 = arith.addf %add3A_323, %slice3A_336 : vector<1x64xf32>
    %slice3A_338 = vector.extract_strided_slice %convert_element_type3A_14 {offsets = [2944, 0], sizes = [128, 64], strides = [1, 1]} : vector<4096x64xf32> to vector<128x64xf32>
    %dot_general3A_339 = arith.constant dense<0.000000e+00> : vector<128x64xf32>
    %dot_general3A_340 = tpu.matmul %convert_element_type3A_18, %slice3A_338, %dot_general3A_339 {dimension_numbers = #tpu.dot_dimension_numbers<[1], [0], [0], [1], [0, 0, 1, 1], [], []>, precision = #tpu.contract_precision<fp32>, transpose_lhs_hint = false} : vector<128x128xf32>, vector<128x64xf32>, vector<128x64xf32> -> vector<128x64xf32>
    %mul3A_341 = arith.mulf %slice3A_338, %dot_general3A_340 : vector<128x64xf32>
    %reduce_sum3A_342 = arith.constant dense<0.000000e+00> : vector<128xf32>
    %reduce_sum3A_343 = vector.multi_reduction <add>, %mul3A_341, %reduce_sum3A_342 [1] : vector<128x64xf32> to vector<128xf32>
    %broadcast_in_dim3A_344 = vector.shape_cast %reduce_sum3A_343 : vector<128xf32> to vector<128x1xf32>
    %mul3A_345 = vector.broadcast %add3A_337 : vector<1x64xf32> to vector<128x64xf32>
    %mul3A_346 = arith.mulf %slice3A_338, %mul3A_345 : vector<128x64xf32>
    %reduce_sum3A_347 = arith.constant dense<0.000000e+00> : vector<128xf32>
    %reduce_sum3A_348 = vector.multi_reduction <add>, %mul3A_346, %reduce_sum3A_347 [1] : vector<128x64xf32> to vector<128xf32>
    %broadcast_in_dim3A_349 = vector.shape_cast %reduce_sum3A_348 : vector<128xf32> to vector<128x1xf32>
    %slice3A_350 = vector.extract_strided_slice %dot_general3A_340 {offsets = [127, 0], sizes = [1, 64], strides = [1, 1]} : vector<128x64xf32> to vector<1x64xf32>
    %add3A_351 = arith.addf %add3A_337, %slice3A_350 : vector<1x64xf32>
    %slice3A_352 = vector.extract_strided_slice %convert_element_type3A_14 {offsets = [3072, 0], sizes = [128, 64], strides = [1, 1]} : vector<4096x64xf32> to vector<128x64xf32>
    %dot_general3A_353 = arith.constant dense<0.000000e+00> : vector<128x64xf32>
    %dot_general3A_354 = tpu.matmul %convert_element_type3A_18, %slice3A_352, %dot_general3A_353 {dimension_numbers = #tpu.dot_dimension_numbers<[1], [0], [0], [1], [0, 0, 1, 1], [], []>, precision = #tpu.contract_precision<fp32>, transpose_lhs_hint = false} : vector<128x128xf32>, vector<128x64xf32>, vector<128x64xf32> -> vector<128x64xf32>
    %mul3A_355 = arith.mulf %slice3A_352, %dot_general3A_354 : vector<128x64xf32>
    %reduce_sum3A_356 = arith.constant dense<0.000000e+00> : vector<128xf32>
    %reduce_sum3A_357 = vector.multi_reduction <add>, %mul3A_355, %reduce_sum3A_356 [1] : vector<128x64xf32> to vector<128xf32>
    %broadcast_in_dim3A_358 = vector.shape_cast %reduce_sum3A_357 : vector<128xf32> to vector<128x1xf32>
    %mul3A_359 = vector.broadcast %add3A_351 : vector<1x64xf32> to vector<128x64xf32>
    %mul3A_360 = arith.mulf %slice3A_352, %mul3A_359 : vector<128x64xf32>
    %reduce_sum3A_361 = arith.constant dense<0.000000e+00> : vector<128xf32>
    %reduce_sum3A_362 = vector.multi_reduction <add>, %mul3A_360, %reduce_sum3A_361 [1] : vector<128x64xf32> to vector<128xf32>
    %broadcast_in_dim3A_363 = vector.shape_cast %reduce_sum3A_362 : vector<128xf32> to vector<128x1xf32>
    %slice3A_364 = vector.extract_strided_slice %dot_general3A_354 {offsets = [127, 0], sizes = [1, 64], strides = [1, 1]} : vector<128x64xf32> to vector<1x64xf32>
    %add3A_365 = arith.addf %add3A_351, %slice3A_364 : vector<1x64xf32>
    %slice3A_366 = vector.extract_strided_slice %convert_element_type3A_14 {offsets = [3200, 0], sizes = [128, 64], strides = [1, 1]} : vector<4096x64xf32> to vector<128x64xf32>
    %dot_general3A_367 = arith.constant dense<0.000000e+00> : vector<128x64xf32>
    %dot_general3A_368 = tpu.matmul %convert_element_type3A_18, %slice3A_366, %dot_general3A_367 {dimension_numbers = #tpu.dot_dimension_numbers<[1], [0], [0], [1], [0, 0, 1, 1], [], []>, precision = #tpu.contract_precision<fp32>, transpose_lhs_hint = false} : vector<128x128xf32>, vector<128x64xf32>, vector<128x64xf32> -> vector<128x64xf32>
    %mul3A_369 = arith.mulf %slice3A_366, %dot_general3A_368 : vector<128x64xf32>
    %reduce_sum3A_370 = arith.constant dense<0.000000e+00> : vector<128xf32>
    %reduce_sum3A_371 = vector.multi_reduction <add>, %mul3A_369, %reduce_sum3A_370 [1] : vector<128x64xf32> to vector<128xf32>
    %broadcast_in_dim3A_372 = vector.shape_cast %reduce_sum3A_371 : vector<128xf32> to vector<128x1xf32>
    %mul3A_373 = vector.broadcast %add3A_365 : vector<1x64xf32> to vector<128x64xf32>
    %mul3A_374 = arith.mulf %slice3A_366, %mul3A_373 : vector<128x64xf32>
    %reduce_sum3A_375 = arith.constant dense<0.000000e+00> : vector<128xf32>
    %reduce_sum3A_376 = vector.multi_reduction <add>, %mul3A_374, %reduce_sum3A_375 [1] : vector<128x64xf32> to vector<128xf32>
    %broadcast_in_dim3A_377 = vector.shape_cast %reduce_sum3A_376 : vector<128xf32> to vector<128x1xf32>
    %slice3A_378 = vector.extract_strided_slice %dot_general3A_368 {offsets = [127, 0], sizes = [1, 64], strides = [1, 1]} : vector<128x64xf32> to vector<1x64xf32>
    %add3A_379 = arith.addf %add3A_365, %slice3A_378 : vector<1x64xf32>
    %slice3A_380 = vector.extract_strided_slice %convert_element_type3A_14 {offsets = [3328, 0], sizes = [128, 64], strides = [1, 1]} : vector<4096x64xf32> to vector<128x64xf32>
    %dot_general3A_381 = arith.constant dense<0.000000e+00> : vector<128x64xf32>
    %dot_general3A_382 = tpu.matmul %convert_element_type3A_18, %slice3A_380, %dot_general3A_381 {dimension_numbers = #tpu.dot_dimension_numbers<[1], [0], [0], [1], [0, 0, 1, 1], [], []>, precision = #tpu.contract_precision<fp32>, transpose_lhs_hint = false} : vector<128x128xf32>, vector<128x64xf32>, vector<128x64xf32> -> vector<128x64xf32>
    %mul3A_383 = arith.mulf %slice3A_380, %dot_general3A_382 : vector<128x64xf32>
    %reduce_sum3A_384 = arith.constant dense<0.000000e+00> : vector<128xf32>
    %reduce_sum3A_385 = vector.multi_reduction <add>, %mul3A_383, %reduce_sum3A_384 [1] : vector<128x64xf32> to vector<128xf32>
    %broadcast_in_dim3A_386 = vector.shape_cast %reduce_sum3A_385 : vector<128xf32> to vector<128x1xf32>
    %mul3A_387 = vector.broadcast %add3A_379 : vector<1x64xf32> to vector<128x64xf32>
    %mul3A_388 = arith.mulf %slice3A_380, %mul3A_387 : vector<128x64xf32>
    %reduce_sum3A_389 = arith.constant dense<0.000000e+00> : vector<128xf32>
    %reduce_sum3A_390 = vector.multi_reduction <add>, %mul3A_388, %reduce_sum3A_389 [1] : vector<128x64xf32> to vector<128xf32>
    %broadcast_in_dim3A_391 = vector.shape_cast %reduce_sum3A_390 : vector<128xf32> to vector<128x1xf32>
    %slice3A_392 = vector.extract_strided_slice %dot_general3A_382 {offsets = [127, 0], sizes = [1, 64], strides = [1, 1]} : vector<128x64xf32> to vector<1x64xf32>
    %add3A_393 = arith.addf %add3A_379, %slice3A_392 : vector<1x64xf32>
    %slice3A_394 = vector.extract_strided_slice %convert_element_type3A_14 {offsets = [3456, 0], sizes = [128, 64], strides = [1, 1]} : vector<4096x64xf32> to vector<128x64xf32>
    %dot_general3A_395 = arith.constant dense<0.000000e+00> : vector<128x64xf32>
    %dot_general3A_396 = tpu.matmul %convert_element_type3A_18, %slice3A_394, %dot_general3A_395 {dimension_numbers = #tpu.dot_dimension_numbers<[1], [0], [0], [1], [0, 0, 1, 1], [], []>, precision = #tpu.contract_precision<fp32>, transpose_lhs_hint = false} : vector<128x128xf32>, vector<128x64xf32>, vector<128x64xf32> -> vector<128x64xf32>
    %mul3A_397 = arith.mulf %slice3A_394, %dot_general3A_396 : vector<128x64xf32>
    %reduce_sum3A_398 = arith.constant dense<0.000000e+00> : vector<128xf32>
    %reduce_sum3A_399 = vector.multi_reduction <add>, %mul3A_397, %reduce_sum3A_398 [1] : vector<128x64xf32> to vector<128xf32>
    %broadcast_in_dim3A_400 = vector.shape_cast %reduce_sum3A_399 : vector<128xf32> to vector<128x1xf32>
    %mul3A_401 = vector.broadcast %add3A_393 : vector<1x64xf32> to vector<128x64xf32>
    %mul3A_402 = arith.mulf %slice3A_394, %mul3A_401 : vector<128x64xf32>
    %reduce_sum3A_403 = arith.constant dense<0.000000e+00> : vector<128xf32>
    %reduce_sum3A_404 = vector.multi_reduction <add>, %mul3A_402, %reduce_sum3A_403 [1] : vector<128x64xf32> to vector<128xf32>
    %broadcast_in_dim3A_405 = vector.shape_cast %reduce_sum3A_404 : vector<128xf32> to vector<128x1xf32>
    %slice3A_406 = vector.extract_strided_slice %dot_general3A_396 {offsets = [127, 0], sizes = [1, 64], strides = [1, 1]} : vector<128x64xf32> to vector<1x64xf32>
    %add3A_407 = arith.addf %add3A_393, %slice3A_406 : vector<1x64xf32>
    %slice3A_408 = vector.extract_strided_slice %convert_element_type3A_14 {offsets = [3584, 0], sizes = [128, 64], strides = [1, 1]} : vector<4096x64xf32> to vector<128x64xf32>
    %dot_general3A_409 = arith.constant dense<0.000000e+00> : vector<128x64xf32>
    %dot_general3A_410 = tpu.matmul %convert_element_type3A_18, %slice3A_408, %dot_general3A_409 {dimension_numbers = #tpu.dot_dimension_numbers<[1], [0], [0], [1], [0, 0, 1, 1], [], []>, precision = #tpu.contract_precision<fp32>, transpose_lhs_hint = false} : vector<128x128xf32>, vector<128x64xf32>, vector<128x64xf32> -> vector<128x64xf32>
    %mul3A_411 = arith.mulf %slice3A_408, %dot_general3A_410 : vector<128x64xf32>
    %reduce_sum3A_412 = arith.constant dense<0.000000e+00> : vector<128xf32>
    %reduce_sum3A_413 = vector.multi_reduction <add>, %mul3A_411, %reduce_sum3A_412 [1] : vector<128x64xf32> to vector<128xf32>
    %broadcast_in_dim3A_414 = vector.shape_cast %reduce_sum3A_413 : vector<128xf32> to vector<128x1xf32>
    %mul3A_415 = vector.broadcast %add3A_407 : vector<1x64xf32> to vector<128x64xf32>
    %mul3A_416 = arith.mulf %slice3A_408, %mul3A_415 : vector<128x64xf32>
    %reduce_sum3A_417 = arith.constant dense<0.000000e+00> : vector<128xf32>
    %reduce_sum3A_418 = vector.multi_reduction <add>, %mul3A_416, %reduce_sum3A_417 [1] : vector<128x64xf32> to vector<128xf32>
    %broadcast_in_dim3A_419 = vector.shape_cast %reduce_sum3A_418 : vector<128xf32> to vector<128x1xf32>
    %slice3A_420 = vector.extract_strided_slice %dot_general3A_410 {offsets = [127, 0], sizes = [1, 64], strides = [1, 1]} : vector<128x64xf32> to vector<1x64xf32>
    %add3A_421 = arith.addf %add3A_407, %slice3A_420 : vector<1x64xf32>
    %slice3A_422 = vector.extract_strided_slice %convert_element_type3A_14 {offsets = [3712, 0], sizes = [128, 64], strides = [1, 1]} : vector<4096x64xf32> to vector<128x64xf32>
    %dot_general3A_423 = arith.constant dense<0.000000e+00> : vector<128x64xf32>
    %dot_general3A_424 = tpu.matmul %convert_element_type3A_18, %slice3A_422, %dot_general3A_423 {dimension_numbers = #tpu.dot_dimension_numbers<[1], [0], [0], [1], [0, 0, 1, 1], [], []>, precision = #tpu.contract_precision<fp32>, transpose_lhs_hint = false} : vector<128x128xf32>, vector<128x64xf32>, vector<128x64xf32> -> vector<128x64xf32>
    %mul3A_425 = arith.mulf %slice3A_422, %dot_general3A_424 : vector<128x64xf32>
    %reduce_sum3A_426 = arith.constant dense<0.000000e+00> : vector<128xf32>
    %reduce_sum3A_427 = vector.multi_reduction <add>, %mul3A_425, %reduce_sum3A_426 [1] : vector<128x64xf32> to vector<128xf32>
    %broadcast_in_dim3A_428 = vector.shape_cast %reduce_sum3A_427 : vector<128xf32> to vector<128x1xf32>
    %mul3A_429 = vector.broadcast %add3A_421 : vector<1x64xf32> to vector<128x64xf32>
    %mul3A_430 = arith.mulf %slice3A_422, %mul3A_429 : vector<128x64xf32>
    %reduce_sum3A_431 = arith.constant dense<0.000000e+00> : vector<128xf32>
    %reduce_sum3A_432 = vector.multi_reduction <add>, %mul3A_430, %reduce_sum3A_431 [1] : vector<128x64xf32> to vector<128xf32>
    %broadcast_in_dim3A_433 = vector.shape_cast %reduce_sum3A_432 : vector<128xf32> to vector<128x1xf32>
    %slice3A_434 = vector.extract_strided_slice %dot_general3A_424 {offsets = [127, 0], sizes = [1, 64], strides = [1, 1]} : vector<128x64xf32> to vector<1x64xf32>
    %add3A_435 = arith.addf %add3A_421, %slice3A_434 : vector<1x64xf32>
    %slice3A_436 = vector.extract_strided_slice %convert_element_type3A_14 {offsets = [3840, 0], sizes = [128, 64], strides = [1, 1]} : vector<4096x64xf32> to vector<128x64xf32>
    %dot_general3A_437 = arith.constant dense<0.000000e+00> : vector<128x64xf32>
    %dot_general3A_438 = tpu.matmul %convert_element_type3A_18, %slice3A_436, %dot_general3A_437 {dimension_numbers = #tpu.dot_dimension_numbers<[1], [0], [0], [1], [0, 0, 1, 1], [], []>, precision = #tpu.contract_precision<fp32>, transpose_lhs_hint = false} : vector<128x128xf32>, vector<128x64xf32>, vector<128x64xf32> -> vector<128x64xf32>
    %mul3A_439 = arith.mulf %slice3A_436, %dot_general3A_438 : vector<128x64xf32>
    %reduce_sum3A_440 = arith.constant dense<0.000000e+00> : vector<128xf32>
    %reduce_sum3A_441 = vector.multi_reduction <add>, %mul3A_439, %reduce_sum3A_440 [1] : vector<128x64xf32> to vector<128xf32>
    %broadcast_in_dim3A_442 = vector.shape_cast %reduce_sum3A_441 : vector<128xf32> to vector<128x1xf32>
    %mul3A_443 = vector.broadcast %add3A_435 : vector<1x64xf32> to vector<128x64xf32>
    %mul3A_444 = arith.mulf %slice3A_436, %mul3A_443 : vector<128x64xf32>
    %reduce_sum3A_445 = arith.constant dense<0.000000e+00> : vector<128xf32>
    %reduce_sum3A_446 = vector.multi_reduction <add>, %mul3A_444, %reduce_sum3A_445 [1] : vector<128x64xf32> to vector<128xf32>
    %broadcast_in_dim3A_447 = vector.shape_cast %reduce_sum3A_446 : vector<128xf32> to vector<128x1xf32>
    %slice3A_448 = vector.extract_strided_slice %dot_general3A_438 {offsets = [127, 0], sizes = [1, 64], strides = [1, 1]} : vector<128x64xf32> to vector<1x64xf32>
    %add3A_449 = arith.addf %add3A_435, %slice3A_448 : vector<1x64xf32>
    %slice3A_450 = vector.extract_strided_slice %convert_element_type3A_14 {offsets = [3968, 0], sizes = [128, 64], strides = [1, 1]} : vector<4096x64xf32> to vector<128x64xf32>
    %dot_general3A_451 = arith.constant dense<0.000000e+00> : vector<128x64xf32>
    %dot_general3A_452 = tpu.matmul %convert_element_type3A_18, %slice3A_450, %dot_general3A_451 {dimension_numbers = #tpu.dot_dimension_numbers<[1], [0], [0], [1], [0, 0, 1, 1], [], []>, precision = #tpu.contract_precision<fp32>, transpose_lhs_hint = false} : vector<128x128xf32>, vector<128x64xf32>, vector<128x64xf32> -> vector<128x64xf32>
    %mul3A_453 = arith.mulf %slice3A_450, %dot_general3A_452 : vector<128x64xf32>
    %reduce_sum3A_454 = arith.constant dense<0.000000e+00> : vector<128xf32>
    %reduce_sum3A_455 = vector.multi_reduction <add>, %mul3A_453, %reduce_sum3A_454 [1] : vector<128x64xf32> to vector<128xf32>
    %broadcast_in_dim3A_456 = vector.shape_cast %reduce_sum3A_455 : vector<128xf32> to vector<128x1xf32>
    %mul3A_457 = vector.broadcast %add3A_449 : vector<1x64xf32> to vector<128x64xf32>
    %mul3A_458 = arith.mulf %slice3A_450, %mul3A_457 : vector<128x64xf32>
    %reduce_sum3A_459 = arith.constant dense<0.000000e+00> : vector<128xf32>
    %reduce_sum3A_460 = vector.multi_reduction <add>, %mul3A_458, %reduce_sum3A_459 [1] : vector<128x64xf32> to vector<128xf32>
    %broadcast_in_dim3A_461 = vector.shape_cast %reduce_sum3A_460 : vector<128xf32> to vector<128x1xf32>
    %slice3A_462 = vector.extract_strided_slice %dot_general3A_452 {offsets = [127, 0], sizes = [1, 64], strides = [1, 1]} : vector<128x64xf32> to vector<1x64xf32>
    %add3A_463 = arith.addf %add3A_449, %slice3A_462 : vector<1x64xf32>
    %iota3A_464 = tpu.iota {dimensions = array<i32: 0>} : vector<64x64xi32>
    %iota3A_465 = tpu.iota {dimensions = array<i32: 1>} : vector<64x64xi32>
    %lt3A = arith.cmpi slt, %iota3A_464, %iota3A_465 : vector<64x64xi32>
    %convert_element_type3A_466 = arith.extui %lt3A : vector<64x64xi1> to vector<64x64xi32>
    %convert_element_type3A_467 = arith.sitofp %convert_element_type3A_466 : vector<64x64xi32> to vector<64x64xf32>
    %dot_general3A_468 = arith.constant dense<0.000000e+00> : vector<1x64xf32>
    %dot_general3A_469 = tpu.matmul %add3A_463, %convert_element_type3A_467, %dot_general3A_468 {dimension_numbers = #tpu.dot_dimension_numbers<[1], [0], [0], [1], [0, 0, 1, 1], [], []>, precision = #tpu.contract_precision<fp32>, transpose_lhs_hint = false} : vector<1x64xf32>, vector<64x64xf32>, vector<1x64xf32> -> vector<1x64xf32>
    %mul3A_470 = vector.broadcast %dot_general3A_469 : vector<1x64xf32> to vector<128x64xf32>
    %mul3A_471 = arith.mulf %slice3A, %mul3A_470 : vector<128x64xf32>
    %reduce_sum3A_472 = arith.constant dense<0.000000e+00> : vector<128xf32>
    %reduce_sum3A_473 = vector.multi_reduction <add>, %mul3A_471, %reduce_sum3A_472 [1] : vector<128x64xf32> to vector<128xf32>
    %broadcast_in_dim3A_474 = vector.shape_cast %reduce_sum3A_473 : vector<128xf32> to vector<128x1xf32>
    %add3A_475 = arith.addf %broadcast_in_dim3A_23, %broadcast_in_dim3A_28 : vector<128x1xf32>
    %add3A_476 = arith.addf %add3A_475, %broadcast_in_dim3A_474 : vector<128x1xf32>
    %sub3A = arith.constant 1.000000e+00 : f32
    %sub3A_477 = vector.broadcast %sub3A : f32 to vector<128x1xf32>
    %sub3A_478 = arith.subf %add3A_476, %sub3A_477 : vector<128x1xf32>
    %mul3A_479 = vector.broadcast %dot_general3A_469 : vector<1x64xf32> to vector<128x64xf32>
    %mul3A_480 = arith.mulf %slice3A_30, %mul3A_479 : vector<128x64xf32>
    %reduce_sum3A_481 = arith.constant dense<0.000000e+00> : vector<128xf32>
    %reduce_sum3A_482 = vector.multi_reduction <add>, %mul3A_480, %reduce_sum3A_481 [1] : vector<128x64xf32> to vector<128xf32>
    %broadcast_in_dim3A_483 = vector.shape_cast %reduce_sum3A_482 : vector<128xf32> to vector<128x1xf32>
    %add3A_484 = arith.addf %broadcast_in_dim3A_36, %broadcast_in_dim3A_41 : vector<128x1xf32>
    %add3A_485 = arith.addf %add3A_484, %broadcast_in_dim3A_483 : vector<128x1xf32>
    %sub3A_486 = arith.constant 1.000000e+00 : f32
    %sub3A_487 = vector.broadcast %sub3A_486 : f32 to vector<128x1xf32>
    %sub3A_488 = arith.subf %add3A_485, %sub3A_487 : vector<128x1xf32>
    %mul3A_489 = vector.broadcast %dot_general3A_469 : vector<1x64xf32> to vector<128x64xf32>
    %mul3A_490 = arith.mulf %slice3A_44, %mul3A_489 : vector<128x64xf32>
    %reduce_sum3A_491 = arith.constant dense<0.000000e+00> : vector<128xf32>
    %reduce_sum3A_492 = vector.multi_reduction <add>, %mul3A_490, %reduce_sum3A_491 [1] : vector<128x64xf32> to vector<128xf32>
    %broadcast_in_dim3A_493 = vector.shape_cast %reduce_sum3A_492 : vector<128xf32> to vector<128x1xf32>
    %add3A_494 = arith.addf %broadcast_in_dim3A_50, %broadcast_in_dim3A_55 : vector<128x1xf32>
    %add3A_495 = arith.addf %add3A_494, %broadcast_in_dim3A_493 : vector<128x1xf32>
    %sub3A_496 = arith.constant 1.000000e+00 : f32
    %sub3A_497 = vector.broadcast %sub3A_496 : f32 to vector<128x1xf32>
    %sub3A_498 = arith.subf %add3A_495, %sub3A_497 : vector<128x1xf32>
    %mul3A_499 = vector.broadcast %dot_general3A_469 : vector<1x64xf32> to vector<128x64xf32>
    %mul3A_500 = arith.mulf %slice3A_58, %mul3A_499 : vector<128x64xf32>
    %reduce_sum3A_501 = arith.constant dense<0.000000e+00> : vector<128xf32>
    %reduce_sum3A_502 = vector.multi_reduction <add>, %mul3A_500, %reduce_sum3A_501 [1] : vector<128x64xf32> to vector<128xf32>
    %broadcast_in_dim3A_503 = vector.shape_cast %reduce_sum3A_502 : vector<128xf32> to vector<128x1xf32>
    %add3A_504 = arith.addf %broadcast_in_dim3A_64, %broadcast_in_dim3A_69 : vector<128x1xf32>
    %add3A_505 = arith.addf %add3A_504, %broadcast_in_dim3A_503 : vector<128x1xf32>
    %sub3A_506 = arith.constant 1.000000e+00 : f32
    %sub3A_507 = vector.broadcast %sub3A_506 : f32 to vector<128x1xf32>
    %sub3A_508 = arith.subf %add3A_505, %sub3A_507 : vector<128x1xf32>
    %mul3A_509 = vector.broadcast %dot_general3A_469 : vector<1x64xf32> to vector<128x64xf32>
    %mul3A_510 = arith.mulf %slice3A_72, %mul3A_509 : vector<128x64xf32>
    %reduce_sum3A_511 = arith.constant dense<0.000000e+00> : vector<128xf32>
    %reduce_sum3A_512 = vector.multi_reduction <add>, %mul3A_510, %reduce_sum3A_511 [1] : vector<128x64xf32> to vector<128xf32>
    %broadcast_in_dim3A_513 = vector.shape_cast %reduce_sum3A_512 : vector<128xf32> to vector<128x1xf32>
    %add3A_514 = arith.addf %broadcast_in_dim3A_78, %broadcast_in_dim3A_83 : vector<128x1xf32>
    %add3A_515 = arith.addf %add3A_514, %broadcast_in_dim3A_513 : vector<128x1xf32>
    %sub3A_516 = arith.constant 1.000000e+00 : f32
    %sub3A_517 = vector.broadcast %sub3A_516 : f32 to vector<128x1xf32>
    %sub3A_518 = arith.subf %add3A_515, %sub3A_517 : vector<128x1xf32>
    %mul3A_519 = vector.broadcast %dot_general3A_469 : vector<1x64xf32> to vector<128x64xf32>
    %mul3A_520 = arith.mulf %slice3A_86, %mul3A_519 : vector<128x64xf32>
    %reduce_sum3A_521 = arith.constant dense<0.000000e+00> : vector<128xf32>
    %reduce_sum3A_522 = vector.multi_reduction <add>, %mul3A_520, %reduce_sum3A_521 [1] : vector<128x64xf32> to vector<128xf32>
    %broadcast_in_dim3A_523 = vector.shape_cast %reduce_sum3A_522 : vector<128xf32> to vector<128x1xf32>
    %add3A_524 = arith.addf %broadcast_in_dim3A_92, %broadcast_in_dim3A_97 : vector<128x1xf32>
    %add3A_525 = arith.addf %add3A_524, %broadcast_in_dim3A_523 : vector<128x1xf32>
    %sub3A_526 = arith.constant 1.000000e+00 : f32
    %sub3A_527 = vector.broadcast %sub3A_526 : f32 to vector<128x1xf32>
    %sub3A_528 = arith.subf %add3A_525, %sub3A_527 : vector<128x1xf32>
    %mul3A_529 = vector.broadcast %dot_general3A_469 : vector<1x64xf32> to vector<128x64xf32>
    %mul3A_530 = arith.mulf %slice3A_100, %mul3A_529 : vector<128x64xf32>
    %reduce_sum3A_531 = arith.constant dense<0.000000e+00> : vector<128xf32>
    %reduce_sum3A_532 = vector.multi_reduction <add>, %mul3A_530, %reduce_sum3A_531 [1] : vector<128x64xf32> to vector<128xf32>
    %broadcast_in_dim3A_533 = vector.shape_cast %reduce_sum3A_532 : vector<128xf32> to vector<128x1xf32>
    %add3A_534 = arith.addf %broadcast_in_dim3A_106, %broadcast_in_dim3A_111 : vector<128x1xf32>
    %add3A_535 = arith.addf %add3A_534, %broadcast_in_dim3A_533 : vector<128x1xf32>
    %sub3A_536 = arith.constant 1.000000e+00 : f32
    %sub3A_537 = vector.broadcast %sub3A_536 : f32 to vector<128x1xf32>
    %sub3A_538 = arith.subf %add3A_535, %sub3A_537 : vector<128x1xf32>
    %mul3A_539 = vector.broadcast %dot_general3A_469 : vector<1x64xf32> to vector<128x64xf32>
    %mul3A_540 = arith.mulf %slice3A_114, %mul3A_539 : vector<128x64xf32>
    %reduce_sum3A_541 = arith.constant dense<0.000000e+00> : vector<128xf32>
    %reduce_sum3A_542 = vector.multi_reduction <add>, %mul3A_540, %reduce_sum3A_541 [1] : vector<128x64xf32> to vector<128xf32>
    %broadcast_in_dim3A_543 = vector.shape_cast %reduce_sum3A_542 : vector<128xf32> to vector<128x1xf32>
    %add3A_544 = arith.addf %broadcast_in_dim3A_120, %broadcast_in_dim3A_125 : vector<128x1xf32>
    %add3A_545 = arith.addf %add3A_544, %broadcast_in_dim3A_543 : vector<128x1xf32>
    %sub3A_546 = arith.constant 1.000000e+00 : f32
    %sub3A_547 = vector.broadcast %sub3A_546 : f32 to vector<128x1xf32>
    %sub3A_548 = arith.subf %add3A_545, %sub3A_547 : vector<128x1xf32>
    %mul3A_549 = vector.broadcast %dot_general3A_469 : vector<1x64xf32> to vector<128x64xf32>
    %mul3A_550 = arith.mulf %slice3A_128, %mul3A_549 : vector<128x64xf32>
    %reduce_sum3A_551 = arith.constant dense<0.000000e+00> : vector<128xf32>
    %reduce_sum3A_552 = vector.multi_reduction <add>, %mul3A_550, %reduce_sum3A_551 [1] : vector<128x64xf32> to vector<128xf32>
    %broadcast_in_dim3A_553 = vector.shape_cast %reduce_sum3A_552 : vector<128xf32> to vector<128x1xf32>
    %add3A_554 = arith.addf %broadcast_in_dim3A_134, %broadcast_in_dim3A_139 : vector<128x1xf32>
    %add3A_555 = arith.addf %add3A_554, %broadcast_in_dim3A_553 : vector<128x1xf32>
    %sub3A_556 = arith.constant 1.000000e+00 : f32
    %sub3A_557 = vector.broadcast %sub3A_556 : f32 to vector<128x1xf32>
    %sub3A_558 = arith.subf %add3A_555, %sub3A_557 : vector<128x1xf32>
    %mul3A_559 = vector.broadcast %dot_general3A_469 : vector<1x64xf32> to vector<128x64xf32>
    %mul3A_560 = arith.mulf %slice3A_142, %mul3A_559 : vector<128x64xf32>
    %reduce_sum3A_561 = arith.constant dense<0.000000e+00> : vector<128xf32>
    %reduce_sum3A_562 = vector.multi_reduction <add>, %mul3A_560, %reduce_sum3A_561 [1] : vector<128x64xf32> to vector<128xf32>
    %broadcast_in_dim3A_563 = vector.shape_cast %reduce_sum3A_562 : vector<128xf32> to vector<128x1xf32>
    %add3A_564 = arith.addf %broadcast_in_dim3A_148, %broadcast_in_dim3A_153 : vector<128x1xf32>
    %add3A_565 = arith.addf %add3A_564, %broadcast_in_dim3A_563 : vector<128x1xf32>
    %sub3A_566 = arith.constant 1.000000e+00 : f32
    %sub3A_567 = vector.broadcast %sub3A_566 : f32 to vector<128x1xf32>
    %sub3A_568 = arith.subf %add3A_565, %sub3A_567 : vector<128x1xf32>
    %mul3A_569 = vector.broadcast %dot_general3A_469 : vector<1x64xf32> to vector<128x64xf32>
    %mul3A_570 = arith.mulf %slice3A_156, %mul3A_569 : vector<128x64xf32>
    %reduce_sum3A_571 = arith.constant dense<0.000000e+00> : vector<128xf32>
    %reduce_sum3A_572 = vector.multi_reduction <add>, %mul3A_570, %reduce_sum3A_571 [1] : vector<128x64xf32> to vector<128xf32>
    %broadcast_in_dim3A_573 = vector.shape_cast %reduce_sum3A_572 : vector<128xf32> to vector<128x1xf32>
    %add3A_574 = arith.addf %broadcast_in_dim3A_162, %broadcast_in_dim3A_167 : vector<128x1xf32>
    %add3A_575 = arith.addf %add3A_574, %broadcast_in_dim3A_573 : vector<128x1xf32>
    %sub3A_576 = arith.constant 1.000000e+00 : f32
    %sub3A_577 = vector.broadcast %sub3A_576 : f32 to vector<128x1xf32>
    %sub3A_578 = arith.subf %add3A_575, %sub3A_577 : vector<128x1xf32>
    %mul3A_579 = vector.broadcast %dot_general3A_469 : vector<1x64xf32> to vector<128x64xf32>
    %mul3A_580 = arith.mulf %slice3A_170, %mul3A_579 : vector<128x64xf32>
    %reduce_sum3A_581 = arith.constant dense<0.000000e+00> : vector<128xf32>
    %reduce_sum3A_582 = vector.multi_reduction <add>, %mul3A_580, %reduce_sum3A_581 [1] : vector<128x64xf32> to vector<128xf32>
    %broadcast_in_dim3A_583 = vector.shape_cast %reduce_sum3A_582 : vector<128xf32> to vector<128x1xf32>
    %add3A_584 = arith.addf %broadcast_in_dim3A_176, %broadcast_in_dim3A_181 : vector<128x1xf32>
    %add3A_585 = arith.addf %add3A_584, %broadcast_in_dim3A_583 : vector<128x1xf32>
    %sub3A_586 = arith.constant 1.000000e+00 : f32
    %sub3A_587 = vector.broadcast %sub3A_586 : f32 to vector<128x1xf32>
    %sub3A_588 = arith.subf %add3A_585, %sub3A_587 : vector<128x1xf32>
    %mul3A_589 = vector.broadcast %dot_general3A_469 : vector<1x64xf32> to vector<128x64xf32>
    %mul3A_590 = arith.mulf %slice3A_184, %mul3A_589 : vector<128x64xf32>
    %reduce_sum3A_591 = arith.constant dense<0.000000e+00> : vector<128xf32>
    %reduce_sum3A_592 = vector.multi_reduction <add>, %mul3A_590, %reduce_sum3A_591 [1] : vector<128x64xf32> to vector<128xf32>
    %broadcast_in_dim3A_593 = vector.shape_cast %reduce_sum3A_592 : vector<128xf32> to vector<128x1xf32>
    %add3A_594 = arith.addf %broadcast_in_dim3A_190, %broadcast_in_dim3A_195 : vector<128x1xf32>
    %add3A_595 = arith.addf %add3A_594, %broadcast_in_dim3A_593 : vector<128x1xf32>
    %sub3A_596 = arith.constant 1.000000e+00 : f32
    %sub3A_597 = vector.broadcast %sub3A_596 : f32 to vector<128x1xf32>
    %sub3A_598 = arith.subf %add3A_595, %sub3A_597 : vector<128x1xf32>
    %mul3A_599 = vector.broadcast %dot_general3A_469 : vector<1x64xf32> to vector<128x64xf32>
    %mul3A_600 = arith.mulf %slice3A_198, %mul3A_599 : vector<128x64xf32>
    %reduce_sum3A_601 = arith.constant dense<0.000000e+00> : vector<128xf32>
    %reduce_sum3A_602 = vector.multi_reduction <add>, %mul3A_600, %reduce_sum3A_601 [1] : vector<128x64xf32> to vector<128xf32>
    %broadcast_in_dim3A_603 = vector.shape_cast %reduce_sum3A_602 : vector<128xf32> to vector<128x1xf32>
    %add3A_604 = arith.addf %broadcast_in_dim3A_204, %broadcast_in_dim3A_209 : vector<128x1xf32>
    %add3A_605 = arith.addf %add3A_604, %broadcast_in_dim3A_603 : vector<128x1xf32>
    %sub3A_606 = arith.constant 1.000000e+00 : f32
    %sub3A_607 = vector.broadcast %sub3A_606 : f32 to vector<128x1xf32>
    %sub3A_608 = arith.subf %add3A_605, %sub3A_607 : vector<128x1xf32>
    %mul3A_609 = vector.broadcast %dot_general3A_469 : vector<1x64xf32> to vector<128x64xf32>
    %mul3A_610 = arith.mulf %slice3A_212, %mul3A_609 : vector<128x64xf32>
    %reduce_sum3A_611 = arith.constant dense<0.000000e+00> : vector<128xf32>
    %reduce_sum3A_612 = vector.multi_reduction <add>, %mul3A_610, %reduce_sum3A_611 [1] : vector<128x64xf32> to vector<128xf32>
    %broadcast_in_dim3A_613 = vector.shape_cast %reduce_sum3A_612 : vector<128xf32> to vector<128x1xf32>
    %add3A_614 = arith.addf %broadcast_in_dim3A_218, %broadcast_in_dim3A_223 : vector<128x1xf32>
    %add3A_615 = arith.addf %add3A_614, %broadcast_in_dim3A_613 : vector<128x1xf32>
    %sub3A_616 = arith.constant 1.000000e+00 : f32
    %sub3A_617 = vector.broadcast %sub3A_616 : f32 to vector<128x1xf32>
    %sub3A_618 = arith.subf %add3A_615, %sub3A_617 : vector<128x1xf32>
    %mul3A_619 = vector.broadcast %dot_general3A_469 : vector<1x64xf32> to vector<128x64xf32>
    %mul3A_620 = arith.mulf %slice3A_226, %mul3A_619 : vector<128x64xf32>
    %reduce_sum3A_621 = arith.constant dense<0.000000e+00> : vector<128xf32>
    %reduce_sum3A_622 = vector.multi_reduction <add>, %mul3A_620, %reduce_sum3A_621 [1] : vector<128x64xf32> to vector<128xf32>
    %broadcast_in_dim3A_623 = vector.shape_cast %reduce_sum3A_622 : vector<128xf32> to vector<128x1xf32>
    %add3A_624 = arith.addf %broadcast_in_dim3A_232, %broadcast_in_dim3A_237 : vector<128x1xf32>
    %add3A_625 = arith.addf %add3A_624, %broadcast_in_dim3A_623 : vector<128x1xf32>
    %sub3A_626 = arith.constant 1.000000e+00 : f32
    %sub3A_627 = vector.broadcast %sub3A_626 : f32 to vector<128x1xf32>
    %sub3A_628 = arith.subf %add3A_625, %sub3A_627 : vector<128x1xf32>
    %mul3A_629 = vector.broadcast %dot_general3A_469 : vector<1x64xf32> to vector<128x64xf32>
    %mul3A_630 = arith.mulf %slice3A_240, %mul3A_629 : vector<128x64xf32>
    %reduce_sum3A_631 = arith.constant dense<0.000000e+00> : vector<128xf32>
    %reduce_sum3A_632 = vector.multi_reduction <add>, %mul3A_630, %reduce_sum3A_631 [1] : vector<128x64xf32> to vector<128xf32>
    %broadcast_in_dim3A_633 = vector.shape_cast %reduce_sum3A_632 : vector<128xf32> to vector<128x1xf32>
    %add3A_634 = arith.addf %broadcast_in_dim3A_246, %broadcast_in_dim3A_251 : vector<128x1xf32>
    %add3A_635 = arith.addf %add3A_634, %broadcast_in_dim3A_633 : vector<128x1xf32>
    %sub3A_636 = arith.constant 1.000000e+00 : f32
    %sub3A_637 = vector.broadcast %sub3A_636 : f32 to vector<128x1xf32>
    %sub3A_638 = arith.subf %add3A_635, %sub3A_637 : vector<128x1xf32>
    %mul3A_639 = vector.broadcast %dot_general3A_469 : vector<1x64xf32> to vector<128x64xf32>
    %mul3A_640 = arith.mulf %slice3A_254, %mul3A_639 : vector<128x64xf32>
    %reduce_sum3A_641 = arith.constant dense<0.000000e+00> : vector<128xf32>
    %reduce_sum3A_642 = vector.multi_reduction <add>, %mul3A_640, %reduce_sum3A_641 [1] : vector<128x64xf32> to vector<128xf32>
    %broadcast_in_dim3A_643 = vector.shape_cast %reduce_sum3A_642 : vector<128xf32> to vector<128x1xf32>
    %add3A_644 = arith.addf %broadcast_in_dim3A_260, %broadcast_in_dim3A_265 : vector<128x1xf32>
    %add3A_645 = arith.addf %add3A_644, %broadcast_in_dim3A_643 : vector<128x1xf32>
    %sub3A_646 = arith.constant 1.000000e+00 : f32
    %sub3A_647 = vector.broadcast %sub3A_646 : f32 to vector<128x1xf32>
    %sub3A_648 = arith.subf %add3A_645, %sub3A_647 : vector<128x1xf32>
    %mul3A_649 = vector.broadcast %dot_general3A_469 : vector<1x64xf32> to vector<128x64xf32>
    %mul3A_650 = arith.mulf %slice3A_268, %mul3A_649 : vector<128x64xf32>
    %reduce_sum3A_651 = arith.constant dense<0.000000e+00> : vector<128xf32>
    %reduce_sum3A_652 = vector.multi_reduction <add>, %mul3A_650, %reduce_sum3A_651 [1] : vector<128x64xf32> to vector<128xf32>
    %broadcast_in_dim3A_653 = vector.shape_cast %reduce_sum3A_652 : vector<128xf32> to vector<128x1xf32>
    %add3A_654 = arith.addf %broadcast_in_dim3A_274, %broadcast_in_dim3A_279 : vector<128x1xf32>
    %add3A_655 = arith.addf %add3A_654, %broadcast_in_dim3A_653 : vector<128x1xf32>
    %sub3A_656 = arith.constant 1.000000e+00 : f32
    %sub3A_657 = vector.broadcast %sub3A_656 : f32 to vector<128x1xf32>
    %sub3A_658 = arith.subf %add3A_655, %sub3A_657 : vector<128x1xf32>
    %mul3A_659 = vector.broadcast %dot_general3A_469 : vector<1x64xf32> to vector<128x64xf32>
    %mul3A_660 = arith.mulf %slice3A_282, %mul3A_659 : vector<128x64xf32>
    %reduce_sum3A_661 = arith.constant dense<0.000000e+00> : vector<128xf32>
    %reduce_sum3A_662 = vector.multi_reduction <add>, %mul3A_660, %reduce_sum3A_661 [1] : vector<128x64xf32> to vector<128xf32>
    %broadcast_in_dim3A_663 = vector.shape_cast %reduce_sum3A_662 : vector<128xf32> to vector<128x1xf32>
    %add3A_664 = arith.addf %broadcast_in_dim3A_288, %broadcast_in_dim3A_293 : vector<128x1xf32>
    %add3A_665 = arith.addf %add3A_664, %broadcast_in_dim3A_663 : vector<128x1xf32>
    %sub3A_666 = arith.constant 1.000000e+00 : f32
    %sub3A_667 = vector.broadcast %sub3A_666 : f32 to vector<128x1xf32>
    %sub3A_668 = arith.subf %add3A_665, %sub3A_667 : vector<128x1xf32>
    %mul3A_669 = vector.broadcast %dot_general3A_469 : vector<1x64xf32> to vector<128x64xf32>
    %mul3A_670 = arith.mulf %slice3A_296, %mul3A_669 : vector<128x64xf32>
    %reduce_sum3A_671 = arith.constant dense<0.000000e+00> : vector<128xf32>
    %reduce_sum3A_672 = vector.multi_reduction <add>, %mul3A_670, %reduce_sum3A_671 [1] : vector<128x64xf32> to vector<128xf32>
    %broadcast_in_dim3A_673 = vector.shape_cast %reduce_sum3A_672 : vector<128xf32> to vector<128x1xf32>
    %add3A_674 = arith.addf %broadcast_in_dim3A_302, %broadcast_in_dim3A_307 : vector<128x1xf32>
    %add3A_675 = arith.addf %add3A_674, %broadcast_in_dim3A_673 : vector<128x1xf32>
    %sub3A_676 = arith.constant 1.000000e+00 : f32
    %sub3A_677 = vector.broadcast %sub3A_676 : f32 to vector<128x1xf32>
    %sub3A_678 = arith.subf %add3A_675, %sub3A_677 : vector<128x1xf32>
    %mul3A_679 = vector.broadcast %dot_general3A_469 : vector<1x64xf32> to vector<128x64xf32>
    %mul3A_680 = arith.mulf %slice3A_310, %mul3A_679 : vector<128x64xf32>
    %reduce_sum3A_681 = arith.constant dense<0.000000e+00> : vector<128xf32>
    %reduce_sum3A_682 = vector.multi_reduction <add>, %mul3A_680, %reduce_sum3A_681 [1] : vector<128x64xf32> to vector<128xf32>
    %broadcast_in_dim3A_683 = vector.shape_cast %reduce_sum3A_682 : vector<128xf32> to vector<128x1xf32>
    %add3A_684 = arith.addf %broadcast_in_dim3A_316, %broadcast_in_dim3A_321 : vector<128x1xf32>
    %add3A_685 = arith.addf %add3A_684, %broadcast_in_dim3A_683 : vector<128x1xf32>
    %sub3A_686 = arith.constant 1.000000e+00 : f32
    %sub3A_687 = vector.broadcast %sub3A_686 : f32 to vector<128x1xf32>
    %sub3A_688 = arith.subf %add3A_685, %sub3A_687 : vector<128x1xf32>
    %mul3A_689 = vector.broadcast %dot_general3A_469 : vector<1x64xf32> to vector<128x64xf32>
    %mul3A_690 = arith.mulf %slice3A_324, %mul3A_689 : vector<128x64xf32>
    %reduce_sum3A_691 = arith.constant dense<0.000000e+00> : vector<128xf32>
    %reduce_sum3A_692 = vector.multi_reduction <add>, %mul3A_690, %reduce_sum3A_691 [1] : vector<128x64xf32> to vector<128xf32>
    %broadcast_in_dim3A_693 = vector.shape_cast %reduce_sum3A_692 : vector<128xf32> to vector<128x1xf32>
    %add3A_694 = arith.addf %broadcast_in_dim3A_330, %broadcast_in_dim3A_335 : vector<128x1xf32>
    %add3A_695 = arith.addf %add3A_694, %broadcast_in_dim3A_693 : vector<128x1xf32>
    %sub3A_696 = arith.constant 1.000000e+00 : f32
    %sub3A_697 = vector.broadcast %sub3A_696 : f32 to vector<128x1xf32>
    %sub3A_698 = arith.subf %add3A_695, %sub3A_697 : vector<128x1xf32>
    %mul3A_699 = vector.broadcast %dot_general3A_469 : vector<1x64xf32> to vector<128x64xf32>
    %mul3A_700 = arith.mulf %slice3A_338, %mul3A_699 : vector<128x64xf32>
    %reduce_sum3A_701 = arith.constant dense<0.000000e+00> : vector<128xf32>
    %reduce_sum3A_702 = vector.multi_reduction <add>, %mul3A_700, %reduce_sum3A_701 [1] : vector<128x64xf32> to vector<128xf32>
    %broadcast_in_dim3A_703 = vector.shape_cast %reduce_sum3A_702 : vector<128xf32> to vector<128x1xf32>
    %add3A_704 = arith.addf %broadcast_in_dim3A_344, %broadcast_in_dim3A_349 : vector<128x1xf32>
    %add3A_705 = arith.addf %add3A_704, %broadcast_in_dim3A_703 : vector<128x1xf32>
    %sub3A_706 = arith.constant 1.000000e+00 : f32
    %sub3A_707 = vector.broadcast %sub3A_706 : f32 to vector<128x1xf32>
    %sub3A_708 = arith.subf %add3A_705, %sub3A_707 : vector<128x1xf32>
    %mul3A_709 = vector.broadcast %dot_general3A_469 : vector<1x64xf32> to vector<128x64xf32>
    %mul3A_710 = arith.mulf %slice3A_352, %mul3A_709 : vector<128x64xf32>
    %reduce_sum3A_711 = arith.constant dense<0.000000e+00> : vector<128xf32>
    %reduce_sum3A_712 = vector.multi_reduction <add>, %mul3A_710, %reduce_sum3A_711 [1] : vector<128x64xf32> to vector<128xf32>
    %broadcast_in_dim3A_713 = vector.shape_cast %reduce_sum3A_712 : vector<128xf32> to vector<128x1xf32>
    %add3A_714 = arith.addf %broadcast_in_dim3A_358, %broadcast_in_dim3A_363 : vector<128x1xf32>
    %add3A_715 = arith.addf %add3A_714, %broadcast_in_dim3A_713 : vector<128x1xf32>
    %sub3A_716 = arith.constant 1.000000e+00 : f32
    %sub3A_717 = vector.broadcast %sub3A_716 : f32 to vector<128x1xf32>
    %sub3A_718 = arith.subf %add3A_715, %sub3A_717 : vector<128x1xf32>
    %mul3A_719 = vector.broadcast %dot_general3A_469 : vector<1x64xf32> to vector<128x64xf32>
    %mul3A_720 = arith.mulf %slice3A_366, %mul3A_719 : vector<128x64xf32>
    %reduce_sum3A_721 = arith.constant dense<0.000000e+00> : vector<128xf32>
    %reduce_sum3A_722 = vector.multi_reduction <add>, %mul3A_720, %reduce_sum3A_721 [1] : vector<128x64xf32> to vector<128xf32>
    %broadcast_in_dim3A_723 = vector.shape_cast %reduce_sum3A_722 : vector<128xf32> to vector<128x1xf32>
    %add3A_724 = arith.addf %broadcast_in_dim3A_372, %broadcast_in_dim3A_377 : vector<128x1xf32>
    %add3A_725 = arith.addf %add3A_724, %broadcast_in_dim3A_723 : vector<128x1xf32>
    %sub3A_726 = arith.constant 1.000000e+00 : f32
    %sub3A_727 = vector.broadcast %sub3A_726 : f32 to vector<128x1xf32>
    %sub3A_728 = arith.subf %add3A_725, %sub3A_727 : vector<128x1xf32>
    %mul3A_729 = vector.broadcast %dot_general3A_469 : vector<1x64xf32> to vector<128x64xf32>
    %mul3A_730 = arith.mulf %slice3A_380, %mul3A_729 : vector<128x64xf32>
    %reduce_sum3A_731 = arith.constant dense<0.000000e+00> : vector<128xf32>
    %reduce_sum3A_732 = vector.multi_reduction <add>, %mul3A_730, %reduce_sum3A_731 [1] : vector<128x64xf32> to vector<128xf32>
    %broadcast_in_dim3A_733 = vector.shape_cast %reduce_sum3A_732 : vector<128xf32> to vector<128x1xf32>
    %add3A_734 = arith.addf %broadcast_in_dim3A_386, %broadcast_in_dim3A_391 : vector<128x1xf32>
    %add3A_735 = arith.addf %add3A_734, %broadcast_in_dim3A_733 : vector<128x1xf32>
    %sub3A_736 = arith.constant 1.000000e+00 : f32
    %sub3A_737 = vector.broadcast %sub3A_736 : f32 to vector<128x1xf32>
    %sub3A_738 = arith.subf %add3A_735, %sub3A_737 : vector<128x1xf32>
    %mul3A_739 = vector.broadcast %dot_general3A_469 : vector<1x64xf32> to vector<128x64xf32>
    %mul3A_740 = arith.mulf %slice3A_394, %mul3A_739 : vector<128x64xf32>
    %reduce_sum3A_741 = arith.constant dense<0.000000e+00> : vector<128xf32>
    %reduce_sum3A_742 = vector.multi_reduction <add>, %mul3A_740, %reduce_sum3A_741 [1] : vector<128x64xf32> to vector<128xf32>
    %broadcast_in_dim3A_743 = vector.shape_cast %reduce_sum3A_742 : vector<128xf32> to vector<128x1xf32>
    %add3A_744 = arith.addf %broadcast_in_dim3A_400, %broadcast_in_dim3A_405 : vector<128x1xf32>
    %add3A_745 = arith.addf %add3A_744, %broadcast_in_dim3A_743 : vector<128x1xf32>
    %sub3A_746 = arith.constant 1.000000e+00 : f32
    %sub3A_747 = vector.broadcast %sub3A_746 : f32 to vector<128x1xf32>
    %sub3A_748 = arith.subf %add3A_745, %sub3A_747 : vector<128x1xf32>
    %mul3A_749 = vector.broadcast %dot_general3A_469 : vector<1x64xf32> to vector<128x64xf32>
    %mul3A_750 = arith.mulf %slice3A_408, %mul3A_749 : vector<128x64xf32>
    %reduce_sum3A_751 = arith.constant dense<0.000000e+00> : vector<128xf32>
    %reduce_sum3A_752 = vector.multi_reduction <add>, %mul3A_750, %reduce_sum3A_751 [1] : vector<128x64xf32> to vector<128xf32>
    %broadcast_in_dim3A_753 = vector.shape_cast %reduce_sum3A_752 : vector<128xf32> to vector<128x1xf32>
    %add3A_754 = arith.addf %broadcast_in_dim3A_414, %broadcast_in_dim3A_419 : vector<128x1xf32>
    %add3A_755 = arith.addf %add3A_754, %broadcast_in_dim3A_753 : vector<128x1xf32>
    %sub3A_756 = arith.constant 1.000000e+00 : f32
    %sub3A_757 = vector.broadcast %sub3A_756 : f32 to vector<128x1xf32>
    %sub3A_758 = arith.subf %add3A_755, %sub3A_757 : vector<128x1xf32>
    %mul3A_759 = vector.broadcast %dot_general3A_469 : vector<1x64xf32> to vector<128x64xf32>
    %mul3A_760 = arith.mulf %slice3A_422, %mul3A_759 : vector<128x64xf32>
    %reduce_sum3A_761 = arith.constant dense<0.000000e+00> : vector<128xf32>
    %reduce_sum3A_762 = vector.multi_reduction <add>, %mul3A_760, %reduce_sum3A_761 [1] : vector<128x64xf32> to vector<128xf32>
    %broadcast_in_dim3A_763 = vector.shape_cast %reduce_sum3A_762 : vector<128xf32> to vector<128x1xf32>
    %add3A_764 = arith.addf %broadcast_in_dim3A_428, %broadcast_in_dim3A_433 : vector<128x1xf32>
    %add3A_765 = arith.addf %add3A_764, %broadcast_in_dim3A_763 : vector<128x1xf32>
    %sub3A_766 = arith.constant 1.000000e+00 : f32
    %sub3A_767 = vector.broadcast %sub3A_766 : f32 to vector<128x1xf32>
    %sub3A_768 = arith.subf %add3A_765, %sub3A_767 : vector<128x1xf32>
    %mul3A_769 = vector.broadcast %dot_general3A_469 : vector<1x64xf32> to vector<128x64xf32>
    %mul3A_770 = arith.mulf %slice3A_436, %mul3A_769 : vector<128x64xf32>
    %reduce_sum3A_771 = arith.constant dense<0.000000e+00> : vector<128xf32>
    %reduce_sum3A_772 = vector.multi_reduction <add>, %mul3A_770, %reduce_sum3A_771 [1] : vector<128x64xf32> to vector<128xf32>
    %broadcast_in_dim3A_773 = vector.shape_cast %reduce_sum3A_772 : vector<128xf32> to vector<128x1xf32>
    %add3A_774 = arith.addf %broadcast_in_dim3A_442, %broadcast_in_dim3A_447 : vector<128x1xf32>
    %add3A_775 = arith.addf %add3A_774, %broadcast_in_dim3A_773 : vector<128x1xf32>
    %sub3A_776 = arith.constant 1.000000e+00 : f32
    %sub3A_777 = vector.broadcast %sub3A_776 : f32 to vector<128x1xf32>
    %sub3A_778 = arith.subf %add3A_775, %sub3A_777 : vector<128x1xf32>
    %mul3A_779 = vector.broadcast %dot_general3A_469 : vector<1x64xf32> to vector<128x64xf32>
    %mul3A_780 = arith.mulf %slice3A_450, %mul3A_779 : vector<128x64xf32>
    %reduce_sum3A_781 = arith.constant dense<0.000000e+00> : vector<128xf32>
    %reduce_sum3A_782 = vector.multi_reduction <add>, %mul3A_780, %reduce_sum3A_781 [1] : vector<128x64xf32> to vector<128xf32>
    %broadcast_in_dim3A_783 = vector.shape_cast %reduce_sum3A_782 : vector<128xf32> to vector<128x1xf32>
    %add3A_784 = arith.addf %broadcast_in_dim3A_456, %broadcast_in_dim3A_461 : vector<128x1xf32>
    %add3A_785 = arith.addf %add3A_784, %broadcast_in_dim3A_783 : vector<128x1xf32>
    %sub3A_786 = arith.constant 1.000000e+00 : f32
    %sub3A_787 = vector.broadcast %sub3A_786 : f32 to vector<128x1xf32>
    %sub3A_788 = arith.subf %add3A_785, %sub3A_787 : vector<128x1xf32>
    %concatenate3A_789 = tpu.concatenate %sub3A_478, %sub3A_488, %sub3A_498, %sub3A_508, %sub3A_518, %sub3A_528, %sub3A_538, %sub3A_548, %sub3A_558, %sub3A_568, %sub3A_578, %sub3A_588, %sub3A_598, %sub3A_608, %sub3A_618, %sub3A_628, %sub3A_638, %sub3A_648, %sub3A_658, %sub3A_668, %sub3A_678, %sub3A_688, %sub3A_698, %sub3A_708, %sub3A_718, %sub3A_728, %sub3A_738, %sub3A_748, %sub3A_758, %sub3A_768, %sub3A_778, %sub3A_788 in 0 : vector<128x1xf32>, vector<128x1xf32>, vector<128x1xf32>, vector<128x1xf32>, vector<128x1xf32>, vector<128x1xf32>, vector<128x1xf32>, vector<128x1xf32>, vector<128x1xf32>, vector<128x1xf32>, vector<128x1xf32>, vector<128x1xf32>, vector<128x1xf32>, vector<128x1xf32>, vector<128x1xf32>, vector<128x1xf32>, vector<128x1xf32>, vector<128x1xf32>, vector<128x1xf32>, vector<128x1xf32>, vector<128x1xf32>, vector<128x1xf32>, vector<128x1xf32>, vector<128x1xf32>, vector<128x1xf32>, vector<128x1xf32>, vector<128x1xf32>, vector<128x1xf32>, vector<128x1xf32>, vector<128x1xf32>, vector<128x1xf32>, vector<128x1xf32> -> vector<4096x1xf32>
    %convert_element_type3A_790 = arith.fptosi %concatenate3A_789 : vector<4096x1xf32> to vector<4096x1xi32>
    %mul3A_791 = arith.constant 4096 : i32
    %mul3A_792 = arith.muli %arg0, %mul3A_791 : i32
    %add3A_793 = vector.broadcast %mul3A_792 : i32 to vector<4096x1xi32>
    %add3A_794 = arith.addi %convert_element_type3A_790, %add3A_793 : vector<4096x1xi32>
    %swap3A = arith.constant 0 : index
    %swap3A_795 = arith.constant 0 : index
    %swap3A_796 = arith.constant 0 : index
    %swap3A_797 = vector.load %arg2[%swap3A, %swap3A_795, %swap3A_796] : memref<1x4096x1xi32, #tpu.memory_space<vmem>>, vector<1x4096x1xi32>
    %swap3A_798 = vector.shape_cast %swap3A_797 : vector<1x4096x1xi32> to vector<4096x1xi32>
    %swap3A_799 = vector.shape_cast %add3A_794 : vector<4096x1xi32> to vector<1x4096x1xi32>
    tpu.vector_store %arg2[%swap3A, %swap3A_795, %swap3A_796], %swap3A_799 {strides = array<i32>} : memref<1x4096x1xi32, #tpu.memory_space<vmem>>, vector<1x4096x1xi32>,
    return
  }
  func.func @transform_0(%arg0: i32) -> (i32, i32, i32) {
    %c0_i32 = arith.constant 0 : i32
    %c0_i32_0 = arith.constant 0 : i32
    %c0_i32_1 = arith.constant 0 : i32
    return %arg0, %c0_i32, %c0_i32_0 : i32, i32, i32
  }
  func.func @transform_1(%arg0: i32) -> (i32, i32, i32) {
    %c0_i32 = arith.constant 0 : i32
    %c0_i32_0 = arith.constant 0 : i32
    %c0_i32_1 = arith.constant 0 : i32
    return %arg0, %c0_i32, %c0_i32_0 : i32, i32, i32
  }
}

module attributes {stable_mosaic.version = 14 : i64} {
  func.func @_main_body(%arg0: i32, %arg1: memref<1x1024x1024xf32, #tpu.memory_space<vmem>>, %arg2: memref<1024x512xf32, #tpu.memory_space<vmem>>, %arg3: memref<512x1024xf32, #tpu.memory_space<vmem>>, %arg4: memref<1x512xf32, #tpu.memory_space<vmem>>, %arg5: memref<1x512xf32, #tpu.memory_space<vmem>>, %arg6: memref<1x1xf32, #tpu.memory_space<vmem>>, %arg7: memref<1x512xf32, #tpu.memory_space<vmem>>, %arg8: memref<1x512xf32, #tpu.memory_space<vmem>>, %arg9: memref<1x512xf32, #tpu.memory_space<vmem>>, %arg10: memref<512x2048xf32, #tpu.memory_space<vmem>>, %arg11: memref<1x2048xf32, #tpu.memory_space<vmem>>, %arg12: memref<2048x512xf32, #tpu.memory_space<vmem>>, %arg13: memref<1x512xf32, #tpu.memory_space<vmem>>, %arg14: memref<1x512xf32, #tpu.memory_space<vmem>>, %arg15: memref<1x512xf32, #tpu.memory_space<vmem>>, %arg16: memref<1x1024x1024xf32, #tpu.memory_space<vmem>>) attributes {dimension_semantics = [#tpu.dimension_semantics<arbitrary>], iteration_bounds = array<i64: 8>, scalar_prefetch = 0 : i64, scratch_operands = 0 : i64, tpu.core_type = #tpu.core_type<tc>, window_params = [{transform_indices = @transform_0, window_bounds = array<i64: 1, 1024, 1024>}, {transform_indices = @transform_1, window_bounds = array<i64: 1024, 512>}, {pipeline_mode = #tpu.pipeline_mode<synchronous>, transform_indices = @transform_2, window_bounds = array<i64: 512, 1024>}, {pipeline_mode = #tpu.pipeline_mode<synchronous>, transform_indices = @transform_3, window_bounds = array<i64: 1, 512>}, {pipeline_mode = #tpu.pipeline_mode<synchronous>, transform_indices = @transform_4, window_bounds = array<i64: 1, 512>}, {pipeline_mode = #tpu.pipeline_mode<synchronous>, transform_indices = @transform_5, window_bounds = array<i64: 1, 1>}, {pipeline_mode = #tpu.pipeline_mode<synchronous>, transform_indices = @transform_6, window_bounds = array<i64: 1, 512>}, {pipeline_mode = #tpu.pipeline_mode<synchronous>, transform_indices = @transform_7, window_bounds = array<i64: 1, 512>}, {pipeline_mode = #tpu.pipeline_mode<synchronous>, transform_indices = @transform_8, window_bounds = array<i64: 1, 512>}, {pipeline_mode = #tpu.pipeline_mode<synchronous>, transform_indices = @transform_9, window_bounds = array<i64: 512, 2048>}, {pipeline_mode = #tpu.pipeline_mode<synchronous>, transform_indices = @transform_10, window_bounds = array<i64: 1, 2048>}, {pipeline_mode = #tpu.pipeline_mode<synchronous>, transform_indices = @transform_11, window_bounds = array<i64: 2048, 512>}, {pipeline_mode = #tpu.pipeline_mode<synchronous>, transform_indices = @transform_12, window_bounds = array<i64: 1, 512>}, {pipeline_mode = #tpu.pipeline_mode<synchronous>, transform_indices = @transform_13, window_bounds = array<i64: 1, 512>}, {pipeline_mode = #tpu.pipeline_mode<synchronous>, transform_indices = @transform_14, window_bounds = array<i64: 1, 512>}, {transform_indices = @transform_15, window_bounds = array<i64: 1, 1024, 1024>}]} {
    %get3A = arith.constant 0 : index
    %get3A_0 = arith.constant 0 : index
    %get3A_1 = arith.constant 0 : index
    %get3A_2 = vector.load %arg1[%get3A, %get3A_0, %get3A_1] : memref<1x1024x1024xf32, #tpu.memory_space<vmem>>, vector<1x1024x1024xf32>
    %get3A_3 = vector.shape_cast %get3A_2 : vector<1x1024x1024xf32> to vector<1024x1024xf32>
    %slice3A = vector.extract_strided_slice %get3A_3 {offsets = [0, 0], sizes = [1024, 512], strides = [1, 1]} : vector<1024x1024xf32> to vector<1024x512xf32>
    %slice3A_4 = vector.extract_strided_slice %get3A_3 {offsets = [0, 512], sizes = [1024, 512], strides = [1, 1]} : vector<1024x1024xf32> to vector<1024x512xf32>
    %get3A_5 = arith.constant 0 : index
    %get3A_6 = arith.constant 0 : index
    %get3A_7 = vector.load %arg2[%get3A_5, %get3A_6] : memref<1024x512xf32, #tpu.memory_space<vmem>>, vector<1024x512xf32>
    %convert_element_type3A = arith.truncf %get3A_7 : vector<1024x512xf32> to vector<1024x512xbf16>
    %get3A_8 = arith.constant 0 : index
    %get3A_9 = arith.constant 0 : index
    %get3A_10 = vector.load %arg3[%get3A_8, %get3A_9] : memref<512x1024xf32, #tpu.memory_space<vmem>>, vector<512x1024xf32>
    %convert_element_type3A_11 = arith.truncf %get3A_10 : vector<512x1024xf32> to vector<512x1024xbf16>
    %dot_general3A = arith.constant dense<0.000000e+00> : vector<1024x1024xf32>
    %dot_general3A_12 = tpu.matmul %convert_element_type3A, %convert_element_type3A_11, %dot_general3A {dimension_numbers = #tpu.dot_dimension_numbers<[1], [0], [0], [1], [0, 0, 1, 1], [], []>, transpose_lhs_hint = false} : vector<1024x512xbf16>, vector<512x1024xbf16>, vector<1024x1024xf32> -> vector<1024x1024xf32>
    %slice3A_13 = vector.extract_strided_slice %dot_general3A_12 {offsets = [0, 0], sizes = [1024, 512], strides = [1, 1]} : vector<1024x1024xf32> to vector<1024x512xf32>
    %convert_element_type3A_14 = arith.truncf %slice3A_13 : vector<1024x512xf32> to vector<1024x512xbf16>
    %slice3A_15 = vector.extract_strided_slice %dot_general3A_12 {offsets = [0, 512], sizes = [1024, 512], strides = [1, 1]} : vector<1024x1024xf32> to vector<1024x512xf32>
    %get3A_16 = arith.constant 0 : index
    %get3A_17 = arith.constant 0 : index
    %get3A_18 = vector.load %arg4[%get3A_16, %get3A_17] : memref<1x512xf32, #tpu.memory_space<vmem>>, vector<1x512xf32>
    %add3A = vector.broadcast %get3A_18 : vector<1x512xf32> to vector<1024x512xf32>
    %add3A_19 = arith.addf %slice3A_15, %add3A : vector<1024x512xf32>
    %convert_element_type3A_20 = arith.truncf %add3A_19 : vector<1024x512xf32> to vector<1024x512xbf16>
    %get3A_21 = arith.constant 0 : index
    %get3A_22 = arith.constant 0 : index
    %get3A_23 = vector.load %arg5[%get3A_21, %get3A_22] : memref<1x512xf32, #tpu.memory_space<vmem>>, vector<1x512xf32>
    %convert_element_type3A_24 = arith.truncf %get3A_23 : vector<1x512xf32> to vector<1x512xbf16>
    %dot_general3A_25 = arith.constant dense<0.000000e+00> : vector<1x1024xf32>
    %dot_general3A_26 = tpu.matmul %convert_element_type3A_24, %convert_element_type3A, %dot_general3A_25 {dimension_numbers = #tpu.dot_dimension_numbers<[1], [1], [0], [0], [0, 0, 1, 0], [], []>, transpose_lhs_hint = false} : vector<1x512xbf16>, vector<1024x512xbf16>, vector<1x1024xf32> -> vector<1x1024xf32>
    %get3A_27 = arith.constant 0 : index
    %get3A_28 = arith.constant 0 : index
    %get3A_29 = vector.load %arg6[%get3A_27, %get3A_28] : memref<1x1xf32, #tpu.memory_space<vmem>>, vector<1x1xf32>
    %get3A_30 = vector.extract %get3A_29[0, 0] : f32 from vector<1x1xf32>
    %iota3A = tpu.iota {dimensions = array<i32: 0>} : vector<128x128xi32>
    %iota3A_31 = tpu.iota {dimensions = array<i32: 1>} : vector<128x128xi32>
    %eq3A = arith.cmpi eq, %iota3A, %iota3A_31 : vector<128x128xi32>
    %jit3A = arith.constant 1.250000e-06 : f32
    %jit3A_32 = arith.constant 1.250000e-01 : f32
    %broadcast_in_dim3A = vector.broadcast %jit3A : f32 to vector<128x128xf32>
    %broadcast_in_dim3A_33 = vector.broadcast %jit3A_32 : f32 to vector<128x128xf32>
    %select_n3A = arith.select %eq3A, %broadcast_in_dim3A, %broadcast_in_dim3A_33 : vector<128x128xi1>, vector<128x128xf32>
    %slice3A_34 = vector.extract_strided_slice %convert_element_type3A_14 {offsets = [0, 0], sizes = [128, 512], strides = [1, 1]} : vector<1024x512xbf16> to vector<128x512xbf16>
    %slice3A_35 = vector.extract_strided_slice %convert_element_type3A {offsets = [0, 0], sizes = [128, 512], strides = [1, 1]} : vector<1024x512xbf16> to vector<128x512xbf16>
    %dot_general3A_36 = arith.constant dense<0.000000e+00> : vector<128x128xf32>
    %dot_general3A_37 = tpu.matmul %slice3A_34, %slice3A_35, %dot_general3A_36 {dimension_numbers = #tpu.dot_dimension_numbers<[1], [1], [0], [0], [0, 0, 1, 0], [], []>, transpose_lhs_hint = false} : vector<128x512xbf16>, vector<128x512xbf16>, vector<128x128xf32> -> vector<128x128xf32>
    %slice3A_38 = vector.extract_strided_slice %dot_general3A_26 {offsets = [0, 0], sizes = [1, 128], strides = [1, 1]} : vector<1x1024xf32> to vector<1x128xf32>
    %add3A_39 = vector.broadcast %slice3A_38 : vector<1x128xf32> to vector<128x128xf32>
    %add3A_40 = arith.addf %dot_general3A_37, %add3A_39 : vector<128x128xf32>
    %transpose3A = tpu.transpose %slice3A_38, [1, 0] : vector<1x128xf32> -> vector<128x1xf32>
    %add3A_41 = vector.broadcast %transpose3A : vector<128x1xf32> to vector<128x128xf32>
    %add3A_42 = arith.addf %add3A_40, %add3A_41 : vector<128x128xf32>
    %add3A_43 = vector.broadcast %get3A_30 : f32 to vector<128x128xf32>
    %add3A_44 = arith.addf %add3A_42, %add3A_43 : vector<128x128xf32>
    %mul3A = arith.mulf %add3A_44, %select_n3A : vector<128x128xf32>
    %convert_element_type3A_45 = arith.truncf %mul3A : vector<128x128xf32> to vector<128x128xbf16>
    %slice3A_46 = vector.extract_strided_slice %convert_element_type3A_20 {offsets = [0, 0], sizes = [128, 512], strides = [1, 1]} : vector<1024x512xbf16> to vector<128x512xbf16>
    %dot_general3A_47 = arith.constant dense<0.000000e+00> : vector<128x512xf32>
    %dot_general3A_48 = tpu.matmul %convert_element_type3A_45, %slice3A_46, %dot_general3A_47 {dimension_numbers = #tpu.dot_dimension_numbers<[1], [0], [0], [1], [0, 0, 1, 1], [], []>, transpose_lhs_hint = false} : vector<128x128xbf16>, vector<128x512xbf16>, vector<128x512xf32> -> vector<128x512xf32>
    %slice3A_49 = vector.extract_strided_slice %convert_element_type3A_14 {offsets = [128, 0], sizes = [128, 512], strides = [1, 1]} : vector<1024x512xbf16> to vector<128x512xbf16>
    %slice3A_50 = vector.extract_strided_slice %convert_element_type3A {offsets = [128, 0], sizes = [128, 512], strides = [1, 1]} : vector<1024x512xbf16> to vector<128x512xbf16>
    %dot_general3A_51 = arith.constant dense<0.000000e+00> : vector<128x128xf32>
    %dot_general3A_52 = tpu.matmul %slice3A_49, %slice3A_50, %dot_general3A_51 {dimension_numbers = #tpu.dot_dimension_numbers<[1], [1], [0], [0], [0, 0, 1, 0], [], []>, transpose_lhs_hint = false} : vector<128x512xbf16>, vector<128x512xbf16>, vector<128x128xf32> -> vector<128x128xf32>
    %slice3A_53 = vector.extract_strided_slice %dot_general3A_26 {offsets = [0, 128], sizes = [1, 128], strides = [1, 1]} : vector<1x1024xf32> to vector<1x128xf32>
    %add3A_54 = vector.broadcast %slice3A_53 : vector<1x128xf32> to vector<128x128xf32>
    %add3A_55 = arith.addf %dot_general3A_52, %add3A_54 : vector<128x128xf32>
    %transpose3A_56 = tpu.transpose %slice3A_53, [1, 0] : vector<1x128xf32> -> vector<128x1xf32>
    %add3A_57 = vector.broadcast %transpose3A_56 : vector<128x1xf32> to vector<128x128xf32>
    %add3A_58 = arith.addf %add3A_55, %add3A_57 : vector<128x128xf32>
    %add3A_59 = vector.broadcast %get3A_30 : f32 to vector<128x128xf32>
    %add3A_60 = arith.addf %add3A_58, %add3A_59 : vector<128x128xf32>
    %mul3A_61 = arith.mulf %add3A_60, %select_n3A : vector<128x128xf32>
    %convert_element_type3A_62 = arith.truncf %mul3A_61 : vector<128x128xf32> to vector<128x128xbf16>
    %slice3A_63 = vector.extract_strided_slice %convert_element_type3A_20 {offsets = [128, 0], sizes = [128, 512], strides = [1, 1]} : vector<1024x512xbf16> to vector<128x512xbf16>
    %dot_general3A_64 = arith.constant dense<0.000000e+00> : vector<128x512xf32>
    %dot_general3A_65 = tpu.matmul %convert_element_type3A_62, %slice3A_63, %dot_general3A_64 {dimension_numbers = #tpu.dot_dimension_numbers<[1], [0], [0], [1], [0, 0, 1, 1], [], []>, transpose_lhs_hint = false} : vector<128x128xbf16>, vector<128x512xbf16>, vector<128x512xf32> -> vector<128x512xf32>
    %slice3A_66 = vector.extract_strided_slice %convert_element_type3A_14 {offsets = [256, 0], sizes = [128, 512], strides = [1, 1]} : vector<1024x512xbf16> to vector<128x512xbf16>
    %slice3A_67 = vector.extract_strided_slice %convert_element_type3A {offsets = [256, 0], sizes = [128, 512], strides = [1, 1]} : vector<1024x512xbf16> to vector<128x512xbf16>
    %dot_general3A_68 = arith.constant dense<0.000000e+00> : vector<128x128xf32>
    %dot_general3A_69 = tpu.matmul %slice3A_66, %slice3A_67, %dot_general3A_68 {dimension_numbers = #tpu.dot_dimension_numbers<[1], [1], [0], [0], [0, 0, 1, 0], [], []>, transpose_lhs_hint = false} : vector<128x512xbf16>, vector<128x512xbf16>, vector<128x128xf32> -> vector<128x128xf32>
    %slice3A_70 = vector.extract_strided_slice %dot_general3A_26 {offsets = [0, 256], sizes = [1, 128], strides = [1, 1]} : vector<1x1024xf32> to vector<1x128xf32>
    %add3A_71 = vector.broadcast %slice3A_70 : vector<1x128xf32> to vector<128x128xf32>
    %add3A_72 = arith.addf %dot_general3A_69, %add3A_71 : vector<128x128xf32>
    %transpose3A_73 = tpu.transpose %slice3A_70, [1, 0] : vector<1x128xf32> -> vector<128x1xf32>
    %add3A_74 = vector.broadcast %transpose3A_73 : vector<128x1xf32> to vector<128x128xf32>
    %add3A_75 = arith.addf %add3A_72, %add3A_74 : vector<128x128xf32>
    %add3A_76 = vector.broadcast %get3A_30 : f32 to vector<128x128xf32>
    %add3A_77 = arith.addf %add3A_75, %add3A_76 : vector<128x128xf32>
    %mul3A_78 = arith.mulf %add3A_77, %select_n3A : vector<128x128xf32>
    %convert_element_type3A_79 = arith.truncf %mul3A_78 : vector<128x128xf32> to vector<128x128xbf16>
    %slice3A_80 = vector.extract_strided_slice %convert_element_type3A_20 {offsets = [256, 0], sizes = [128, 512], strides = [1, 1]} : vector<1024x512xbf16> to vector<128x512xbf16>
    %dot_general3A_81 = arith.constant dense<0.000000e+00> : vector<128x512xf32>
    %dot_general3A_82 = tpu.matmul %convert_element_type3A_79, %slice3A_80, %dot_general3A_81 {dimension_numbers = #tpu.dot_dimension_numbers<[1], [0], [0], [1], [0, 0, 1, 1], [], []>, transpose_lhs_hint = false} : vector<128x128xbf16>, vector<128x512xbf16>, vector<128x512xf32> -> vector<128x512xf32>
    %slice3A_83 = vector.extract_strided_slice %convert_element_type3A_14 {offsets = [384, 0], sizes = [128, 512], strides = [1, 1]} : vector<1024x512xbf16> to vector<128x512xbf16>
    %slice3A_84 = vector.extract_strided_slice %convert_element_type3A {offsets = [384, 0], sizes = [128, 512], strides = [1, 1]} : vector<1024x512xbf16> to vector<128x512xbf16>
    %dot_general3A_85 = arith.constant dense<0.000000e+00> : vector<128x128xf32>
    %dot_general3A_86 = tpu.matmul %slice3A_83, %slice3A_84, %dot_general3A_85 {dimension_numbers = #tpu.dot_dimension_numbers<[1], [1], [0], [0], [0, 0, 1, 0], [], []>, transpose_lhs_hint = false} : vector<128x512xbf16>, vector<128x512xbf16>, vector<128x128xf32> -> vector<128x128xf32>
    %slice3A_87 = vector.extract_strided_slice %dot_general3A_26 {offsets = [0, 384], sizes = [1, 128], strides = [1, 1]} : vector<1x1024xf32> to vector<1x128xf32>
    %add3A_88 = vector.broadcast %slice3A_87 : vector<1x128xf32> to vector<128x128xf32>
    %add3A_89 = arith.addf %dot_general3A_86, %add3A_88 : vector<128x128xf32>
    %transpose3A_90 = tpu.transpose %slice3A_87, [1, 0] : vector<1x128xf32> -> vector<128x1xf32>
    %add3A_91 = vector.broadcast %transpose3A_90 : vector<128x1xf32> to vector<128x128xf32>
    %add3A_92 = arith.addf %add3A_89, %add3A_91 : vector<128x128xf32>
    %add3A_93 = vector.broadcast %get3A_30 : f32 to vector<128x128xf32>
    %add3A_94 = arith.addf %add3A_92, %add3A_93 : vector<128x128xf32>
    %mul3A_95 = arith.mulf %add3A_94, %select_n3A : vector<128x128xf32>
    %convert_element_type3A_96 = arith.truncf %mul3A_95 : vector<128x128xf32> to vector<128x128xbf16>
    %slice3A_97 = vector.extract_strided_slice %convert_element_type3A_20 {offsets = [384, 0], sizes = [128, 512], strides = [1, 1]} : vector<1024x512xbf16> to vector<128x512xbf16>
    %dot_general3A_98 = arith.constant dense<0.000000e+00> : vector<128x512xf32>
    %dot_general3A_99 = tpu.matmul %convert_element_type3A_96, %slice3A_97, %dot_general3A_98 {dimension_numbers = #tpu.dot_dimension_numbers<[1], [0], [0], [1], [0, 0, 1, 1], [], []>, transpose_lhs_hint = false} : vector<128x128xbf16>, vector<128x512xbf16>, vector<128x512xf32> -> vector<128x512xf32>
    %slice3A_100 = vector.extract_strided_slice %convert_element_type3A_14 {offsets = [512, 0], sizes = [128, 512], strides = [1, 1]} : vector<1024x512xbf16> to vector<128x512xbf16>
    %slice3A_101 = vector.extract_strided_slice %convert_element_type3A {offsets = [512, 0], sizes = [128, 512], strides = [1, 1]} : vector<1024x512xbf16> to vector<128x512xbf16>
    %dot_general3A_102 = arith.constant dense<0.000000e+00> : vector<128x128xf32>
    %dot_general3A_103 = tpu.matmul %slice3A_100, %slice3A_101, %dot_general3A_102 {dimension_numbers = #tpu.dot_dimension_numbers<[1], [1], [0], [0], [0, 0, 1, 0], [], []>, transpose_lhs_hint = false} : vector<128x512xbf16>, vector<128x512xbf16>, vector<128x128xf32> -> vector<128x128xf32>
    %slice3A_104 = vector.extract_strided_slice %dot_general3A_26 {offsets = [0, 512], sizes = [1, 128], strides = [1, 1]} : vector<1x1024xf32> to vector<1x128xf32>
    %add3A_105 = vector.broadcast %slice3A_104 : vector<1x128xf32> to vector<128x128xf32>
    %add3A_106 = arith.addf %dot_general3A_103, %add3A_105 : vector<128x128xf32>
    %transpose3A_107 = tpu.transpose %slice3A_104, [1, 0] : vector<1x128xf32> -> vector<128x1xf32>
    %add3A_108 = vector.broadcast %transpose3A_107 : vector<128x1xf32> to vector<128x128xf32>
    %add3A_109 = arith.addf %add3A_106, %add3A_108 : vector<128x128xf32>
    %add3A_110 = vector.broadcast %get3A_30 : f32 to vector<128x128xf32>
    %add3A_111 = arith.addf %add3A_109, %add3A_110 : vector<128x128xf32>
    %mul3A_112 = arith.mulf %add3A_111, %select_n3A : vector<128x128xf32>
    %convert_element_type3A_113 = arith.truncf %mul3A_112 : vector<128x128xf32> to vector<128x128xbf16>
    %slice3A_114 = vector.extract_strided_slice %convert_element_type3A_20 {offsets = [512, 0], sizes = [128, 512], strides = [1, 1]} : vector<1024x512xbf16> to vector<128x512xbf16>
    %dot_general3A_115 = arith.constant dense<0.000000e+00> : vector<128x512xf32>
    %dot_general3A_116 = tpu.matmul %convert_element_type3A_113, %slice3A_114, %dot_general3A_115 {dimension_numbers = #tpu.dot_dimension_numbers<[1], [0], [0], [1], [0, 0, 1, 1], [], []>, transpose_lhs_hint = false} : vector<128x128xbf16>, vector<128x512xbf16>, vector<128x512xf32> -> vector<128x512xf32>
    %slice3A_117 = vector.extract_strided_slice %convert_element_type3A_14 {offsets = [640, 0], sizes = [128, 512], strides = [1, 1]} : vector<1024x512xbf16> to vector<128x512xbf16>
    %slice3A_118 = vector.extract_strided_slice %convert_element_type3A {offsets = [640, 0], sizes = [128, 512], strides = [1, 1]} : vector<1024x512xbf16> to vector<128x512xbf16>
    %dot_general3A_119 = arith.constant dense<0.000000e+00> : vector<128x128xf32>
    %dot_general3A_120 = tpu.matmul %slice3A_117, %slice3A_118, %dot_general3A_119 {dimension_numbers = #tpu.dot_dimension_numbers<[1], [1], [0], [0], [0, 0, 1, 0], [], []>, transpose_lhs_hint = false} : vector<128x512xbf16>, vector<128x512xbf16>, vector<128x128xf32> -> vector<128x128xf32>
    %slice3A_121 = vector.extract_strided_slice %dot_general3A_26 {offsets = [0, 640], sizes = [1, 128], strides = [1, 1]} : vector<1x1024xf32> to vector<1x128xf32>
    %add3A_122 = vector.broadcast %slice3A_121 : vector<1x128xf32> to vector<128x128xf32>
    %add3A_123 = arith.addf %dot_general3A_120, %add3A_122 : vector<128x128xf32>
    %transpose3A_124 = tpu.transpose %slice3A_121, [1, 0] : vector<1x128xf32> -> vector<128x1xf32>
    %add3A_125 = vector.broadcast %transpose3A_124 : vector<128x1xf32> to vector<128x128xf32>
    %add3A_126 = arith.addf %add3A_123, %add3A_125 : vector<128x128xf32>
    %add3A_127 = vector.broadcast %get3A_30 : f32 to vector<128x128xf32>
    %add3A_128 = arith.addf %add3A_126, %add3A_127 : vector<128x128xf32>
    %mul3A_129 = arith.mulf %add3A_128, %select_n3A : vector<128x128xf32>
    %convert_element_type3A_130 = arith.truncf %mul3A_129 : vector<128x128xf32> to vector<128x128xbf16>
    %slice3A_131 = vector.extract_strided_slice %convert_element_type3A_20 {offsets = [640, 0], sizes = [128, 512], strides = [1, 1]} : vector<1024x512xbf16> to vector<128x512xbf16>
    %dot_general3A_132 = arith.constant dense<0.000000e+00> : vector<128x512xf32>
    %dot_general3A_133 = tpu.matmul %convert_element_type3A_130, %slice3A_131, %dot_general3A_132 {dimension_numbers = #tpu.dot_dimension_numbers<[1], [0], [0], [1], [0, 0, 1, 1], [], []>, transpose_lhs_hint = false} : vector<128x128xbf16>, vector<128x512xbf16>, vector<128x512xf32> -> vector<128x512xf32>
    %slice3A_134 = vector.extract_strided_slice %convert_element_type3A_14 {offsets = [768, 0], sizes = [128, 512], strides = [1, 1]} : vector<1024x512xbf16> to vector<128x512xbf16>
    %slice3A_135 = vector.extract_strided_slice %convert_element_type3A {offsets = [768, 0], sizes = [128, 512], strides = [1, 1]} : vector<1024x512xbf16> to vector<128x512xbf16>
    %dot_general3A_136 = arith.constant dense<0.000000e+00> : vector<128x128xf32>
    %dot_general3A_137 = tpu.matmul %slice3A_134, %slice3A_135, %dot_general3A_136 {dimension_numbers = #tpu.dot_dimension_numbers<[1], [1], [0], [0], [0, 0, 1, 0], [], []>, transpose_lhs_hint = false} : vector<128x512xbf16>, vector<128x512xbf16>, vector<128x128xf32> -> vector<128x128xf32>
    %slice3A_138 = vector.extract_strided_slice %dot_general3A_26 {offsets = [0, 768], sizes = [1, 128], strides = [1, 1]} : vector<1x1024xf32> to vector<1x128xf32>
    %add3A_139 = vector.broadcast %slice3A_138 : vector<1x128xf32> to vector<128x128xf32>
    %add3A_140 = arith.addf %dot_general3A_137, %add3A_139 : vector<128x128xf32>
    %transpose3A_141 = tpu.transpose %slice3A_138, [1, 0] : vector<1x128xf32> -> vector<128x1xf32>
    %add3A_142 = vector.broadcast %transpose3A_141 : vector<128x1xf32> to vector<128x128xf32>
    %add3A_143 = arith.addf %add3A_140, %add3A_142 : vector<128x128xf32>
    %add3A_144 = vector.broadcast %get3A_30 : f32 to vector<128x128xf32>
    %add3A_145 = arith.addf %add3A_143, %add3A_144 : vector<128x128xf32>
    %mul3A_146 = arith.mulf %add3A_145, %select_n3A : vector<128x128xf32>
    %convert_element_type3A_147 = arith.truncf %mul3A_146 : vector<128x128xf32> to vector<128x128xbf16>
    %slice3A_148 = vector.extract_strided_slice %convert_element_type3A_20 {offsets = [768, 0], sizes = [128, 512], strides = [1, 1]} : vector<1024x512xbf16> to vector<128x512xbf16>
    %dot_general3A_149 = arith.constant dense<0.000000e+00> : vector<128x512xf32>
    %dot_general3A_150 = tpu.matmul %convert_element_type3A_147, %slice3A_148, %dot_general3A_149 {dimension_numbers = #tpu.dot_dimension_numbers<[1], [0], [0], [1], [0, 0, 1, 1], [], []>, transpose_lhs_hint = false} : vector<128x128xbf16>, vector<128x512xbf16>, vector<128x512xf32> -> vector<128x512xf32>
    %slice3A_151 = vector.extract_strided_slice %convert_element_type3A_14 {offsets = [896, 0], sizes = [128, 512], strides = [1, 1]} : vector<1024x512xbf16> to vector<128x512xbf16>
    %slice3A_152 = vector.extract_strided_slice %convert_element_type3A {offsets = [896, 0], sizes = [128, 512], strides = [1, 1]} : vector<1024x512xbf16> to vector<128x512xbf16>
    %dot_general3A_153 = arith.constant dense<0.000000e+00> : vector<128x128xf32>
    %dot_general3A_154 = tpu.matmul %slice3A_151, %slice3A_152, %dot_general3A_153 {dimension_numbers = #tpu.dot_dimension_numbers<[1], [1], [0], [0], [0, 0, 1, 0], [], []>, transpose_lhs_hint = false} : vector<128x512xbf16>, vector<128x512xbf16>, vector<128x128xf32> -> vector<128x128xf32>
    %slice3A_155 = vector.extract_strided_slice %dot_general3A_26 {offsets = [0, 896], sizes = [1, 128], strides = [1, 1]} : vector<1x1024xf32> to vector<1x128xf32>
    %add3A_156 = vector.broadcast %slice3A_155 : vector<1x128xf32> to vector<128x128xf32>
    %add3A_157 = arith.addf %dot_general3A_154, %add3A_156 : vector<128x128xf32>
    %transpose3A_158 = tpu.transpose %slice3A_155, [1, 0] : vector<1x128xf32> -> vector<128x1xf32>
    %add3A_159 = vector.broadcast %transpose3A_158 : vector<128x1xf32> to vector<128x128xf32>
    %add3A_160 = arith.addf %add3A_157, %add3A_159 : vector<128x128xf32>
    %add3A_161 = vector.broadcast %get3A_30 : f32 to vector<128x128xf32>
    %add3A_162 = arith.addf %add3A_160, %add3A_161 : vector<128x128xf32>
    %mul3A_163 = arith.mulf %add3A_162, %select_n3A : vector<128x128xf32>
    %convert_element_type3A_164 = arith.truncf %mul3A_163 : vector<128x128xf32> to vector<128x128xbf16>
    %slice3A_165 = vector.extract_strided_slice %convert_element_type3A_20 {offsets = [896, 0], sizes = [128, 512], strides = [1, 1]} : vector<1024x512xbf16> to vector<128x512xbf16>
    %dot_general3A_166 = arith.constant dense<0.000000e+00> : vector<128x512xf32>
    %dot_general3A_167 = tpu.matmul %convert_element_type3A_164, %slice3A_165, %dot_general3A_166 {dimension_numbers = #tpu.dot_dimension_numbers<[1], [0], [0], [1], [0, 0, 1, 1], [], []>, transpose_lhs_hint = false} : vector<128x128xbf16>, vector<128x512xbf16>, vector<128x512xf32> -> vector<128x512xf32>
    %concatenate3A = tpu.concatenate %dot_general3A_48, %dot_general3A_65, %dot_general3A_82, %dot_general3A_99, %dot_general3A_116, %dot_general3A_133, %dot_general3A_150, %dot_general3A_167 in 0 : vector<128x512xf32>, vector<128x512xf32>, vector<128x512xf32>, vector<128x512xf32>, vector<128x512xf32>, vector<128x512xf32>, vector<128x512xf32>, vector<128x512xf32> -> vector<1024x512xf32>
    %get3A_168 = arith.constant 0 : index
    %get3A_169 = arith.constant 0 : index
    %get3A_170 = vector.load %arg7[%get3A_168, %get3A_169] : memref<1x512xf32, #tpu.memory_space<vmem>>, vector<1x512xf32>
    %add3A_171 = vector.broadcast %get3A_170 : vector<1x512xf32> to vector<1024x512xf32>
    %add3A_172 = arith.addf %concatenate3A, %add3A_171 : vector<1024x512xf32>
    %add3A_173 = arith.addf %slice3A, %add3A_172 : vector<1024x512xf32>
    %get3A_174 = arith.constant 0 : index
    %get3A_175 = arith.constant 0 : index
    %get3A_176 = vector.load %arg8[%get3A_174, %get3A_175] : memref<1x512xf32, #tpu.memory_space<vmem>>, vector<1x512xf32>
    %get3A_177 = arith.constant 0 : index
    %get3A_178 = arith.constant 0 : index
    %get3A_179 = vector.load %arg9[%get3A_177, %get3A_178] : memref<1x512xf32, #tpu.memory_space<vmem>>, vector<1x512xf32>
    %reduce_sum3A = arith.constant dense<0.000000e+00> : vector<1024xf32>
    %reduce_sum3A_180 = vector.multi_reduction <add>, %add3A_173, %reduce_sum3A [1] : vector<1024x512xf32> to vector<1024xf32>
    %broadcast_in_dim3A_181 = vector.shape_cast %reduce_sum3A_180 : vector<1024xf32> to vector<1024x1xf32>
    %div3A = arith.constant 5.120000e+02 : f32
    %div3A_182 = vector.broadcast %div3A : f32 to vector<1024x1xf32>
    %div3A_183 = arith.divf %broadcast_in_dim3A_181, %div3A_182 : vector<1024x1xf32>
    %sub3A = vector.broadcast %div3A_183 : vector<1024x1xf32> to vector<1024x512xf32>
    %sub3A_184 = arith.subf %add3A_173, %sub3A : vector<1024x512xf32>
    %mul3A_185 = arith.mulf %sub3A_184, %sub3A_184 : vector<1024x512xf32>
    %reduce_sum3A_186 = arith.constant dense<0.000000e+00> : vector<1024xf32>
    %reduce_sum3A_187 = vector.multi_reduction <add>, %mul3A_185, %reduce_sum3A_186 [1] : vector<1024x512xf32> to vector<1024xf32>
    %broadcast_in_dim3A_188 = vector.shape_cast %reduce_sum3A_187 : vector<1024xf32> to vector<1024x1xf32>
    %div3A_189 = arith.constant 5.120000e+02 : f32
    %div3A_190 = vector.broadcast %div3A_189 : f32 to vector<1024x1xf32>
    %div3A_191 = arith.divf %broadcast_in_dim3A_188, %div3A_190 : vector<1024x1xf32>
    %add3A_192 = arith.constant 9.99999974E-6 : f32
    %add3A_193 = vector.broadcast %add3A_192 : f32 to vector<1024x1xf32>
    %add3A_194 = arith.addf %div3A_191, %add3A_193 : vector<1024x1xf32>
    %rsqrt3A = math.rsqrt %add3A_194 : vector<1024x1xf32>
    %mul3A_195 = vector.broadcast %rsqrt3A : vector<1024x1xf32> to vector<1024x512xf32>
    %mul3A_196 = arith.mulf %sub3A_184, %mul3A_195 : vector<1024x512xf32>
    %mul3A_197 = vector.broadcast %get3A_176 : vector<1x512xf32> to vector<1024x512xf32>
    %mul3A_198 = arith.mulf %mul3A_196, %mul3A_197 : vector<1024x512xf32>
    %add3A_199 = vector.broadcast %get3A_179 : vector<1x512xf32> to vector<1024x512xf32>
    %add3A_200 = arith.addf %mul3A_198, %add3A_199 : vector<1024x512xf32>
    %get3A_201 = arith.constant 0 : index
    %get3A_202 = arith.constant 0 : index
    %get3A_203 = vector.load %arg10[%get3A_201, %get3A_202] : memref<512x2048xf32, #tpu.memory_space<vmem>>, vector<512x2048xf32>
    %convert_element_type3A_204 = arith.truncf %add3A_200 : vector<1024x512xf32> to vector<1024x512xbf16>
    %convert_element_type3A_205 = arith.truncf %get3A_203 : vector<512x2048xf32> to vector<512x2048xbf16>
    %dot_general3A_206 = arith.constant dense<0.000000e+00> : vector<1024x2048xf32>
    %dot_general3A_207 = tpu.matmul %convert_element_type3A_204, %convert_element_type3A_205, %dot_general3A_206 {dimension_numbers = #tpu.dot_dimension_numbers<[1], [0], [0], [1], [0, 0, 1, 1], [], []>, transpose_lhs_hint = false} : vector<1024x512xbf16>, vector<512x2048xbf16>, vector<1024x2048xf32> -> vector<1024x2048xf32>
    %get3A_208 = arith.constant 0 : index
    %get3A_209 = arith.constant 0 : index
    %get3A_210 = vector.load %arg11[%get3A_208, %get3A_209] : memref<1x2048xf32, #tpu.memory_space<vmem>>, vector<1x2048xf32>
    %add3A_211 = vector.broadcast %get3A_210 : vector<1x2048xf32> to vector<1024x2048xf32>
    %add3A_212 = arith.addf %dot_general3A_207, %add3A_211 : vector<1024x2048xf32>
    %max3A = arith.constant 0.000000e+00 : f32
    %max3A_213 = vector.broadcast %max3A : f32 to vector<1024x2048xf32>
    %max3A_214 = arith.maximumf %add3A_212, %max3A_213 : vector<1024x2048xf32>
    %convert_element_type3A_215 = arith.truncf %max3A_214 : vector<1024x2048xf32> to vector<1024x2048xbf16>
    %get3A_216 = arith.constant 0 : index
    %get3A_217 = arith.constant 0 : index
    %get3A_218 = vector.load %arg12[%get3A_216, %get3A_217] : memref<2048x512xf32, #tpu.memory_space<vmem>>, vector<2048x512xf32>
    %convert_element_type3A_219 = arith.truncf %get3A_218 : vector<2048x512xf32> to vector<2048x512xbf16>
    %dot_general3A_220 = arith.constant dense<0.000000e+00> : vector<1024x512xf32>
    %dot_general3A_221 = tpu.matmul %convert_element_type3A_215, %convert_element_type3A_219, %dot_general3A_220 {dimension_numbers = #tpu.dot_dimension_numbers<[1], [0], [0], [1], [0, 0, 1, 1], [], []>, transpose_lhs_hint = false} : vector<1024x2048xbf16>, vector<2048x512xbf16>, vector<1024x512xf32> -> vector<1024x512xf32>
    %get3A_222 = arith.constant 0 : index
    %get3A_223 = arith.constant 0 : index
    %get3A_224 = vector.load %arg13[%get3A_222, %get3A_223] : memref<1x512xf32, #tpu.memory_space<vmem>>, vector<1x512xf32>
    %add3A_225 = vector.broadcast %get3A_224 : vector<1x512xf32> to vector<1024x512xf32>
    %add3A_226 = arith.addf %dot_general3A_221, %add3A_225 : vector<1024x512xf32>
    %add3A_227 = arith.addf %slice3A_4, %add3A_226 : vector<1024x512xf32>
    %get3A_228 = arith.constant 0 : index
    %get3A_229 = arith.constant 0 : index
    %get3A_230 = vector.load %arg14[%get3A_228, %get3A_229] : memref<1x512xf32, #tpu.memory_space<vmem>>, vector<1x512xf32>
    %get3A_231 = arith.constant 0 : index
    %get3A_232 = arith.constant 0 : index
    %get3A_233 = vector.load %arg15[%get3A_231, %get3A_232] : memref<1x512xf32, #tpu.memory_space<vmem>>, vector<1x512xf32>
    %reduce_sum3A_234 = arith.constant dense<0.000000e+00> : vector<1024xf32>
    %reduce_sum3A_235 = vector.multi_reduction <add>, %add3A_227, %reduce_sum3A_234 [1] : vector<1024x512xf32> to vector<1024xf32>
    %broadcast_in_dim3A_236 = vector.shape_cast %reduce_sum3A_235 : vector<1024xf32> to vector<1024x1xf32>
    %div3A_237 = arith.constant 5.120000e+02 : f32
    %div3A_238 = vector.broadcast %div3A_237 : f32 to vector<1024x1xf32>
    %div3A_239 = arith.divf %broadcast_in_dim3A_236, %div3A_238 : vector<1024x1xf32>
    %sub3A_240 = vector.broadcast %div3A_239 : vector<1024x1xf32> to vector<1024x512xf32>
    %sub3A_241 = arith.subf %add3A_227, %sub3A_240 : vector<1024x512xf32>
    %mul3A_242 = arith.mulf %sub3A_241, %sub3A_241 : vector<1024x512xf32>
    %reduce_sum3A_243 = arith.constant dense<0.000000e+00> : vector<1024xf32>
    %reduce_sum3A_244 = vector.multi_reduction <add>, %mul3A_242, %reduce_sum3A_243 [1] : vector<1024x512xf32> to vector<1024xf32>
    %broadcast_in_dim3A_245 = vector.shape_cast %reduce_sum3A_244 : vector<1024xf32> to vector<1024x1xf32>
    %div3A_246 = arith.constant 5.120000e+02 : f32
    %div3A_247 = vector.broadcast %div3A_246 : f32 to vector<1024x1xf32>
    %div3A_248 = arith.divf %broadcast_in_dim3A_245, %div3A_247 : vector<1024x1xf32>
    %add3A_249 = arith.constant 9.99999974E-6 : f32
    %add3A_250 = vector.broadcast %add3A_249 : f32 to vector<1024x1xf32>
    %add3A_251 = arith.addf %div3A_248, %add3A_250 : vector<1024x1xf32>
    %rsqrt3A_252 = math.rsqrt %add3A_251 : vector<1024x1xf32>
    %mul3A_253 = vector.broadcast %rsqrt3A_252 : vector<1024x1xf32> to vector<1024x512xf32>
    %mul3A_254 = arith.mulf %sub3A_241, %mul3A_253 : vector<1024x512xf32>
    %mul3A_255 = vector.broadcast %get3A_230 : vector<1x512xf32> to vector<1024x512xf32>
    %mul3A_256 = arith.mulf %mul3A_254, %mul3A_255 : vector<1024x512xf32>
    %add3A_257 = vector.broadcast %get3A_233 : vector<1x512xf32> to vector<1024x512xf32>
    %add3A_258 = arith.addf %mul3A_256, %add3A_257 : vector<1024x512xf32>
    %concatenate3A_259 = tpu.concatenate %add3A_200, %add3A_258 in 1 : vector<1024x512xf32>, vector<1024x512xf32> -> vector<1024x1024xf32>
    %swap3A = arith.constant 0 : index
    %swap3A_260 = arith.constant 0 : index
    %swap3A_261 = arith.constant 0 : index
    %swap3A_262 = vector.load %arg16[%swap3A, %swap3A_260, %swap3A_261] : memref<1x1024x1024xf32, #tpu.memory_space<vmem>>, vector<1x1024x1024xf32>
    %swap3A_263 = vector.shape_cast %swap3A_262 : vector<1x1024x1024xf32> to vector<1024x1024xf32>
    %swap3A_264 = vector.shape_cast %concatenate3A_259 : vector<1024x1024xf32> to vector<1x1024x1024xf32>
    tpu.vector_store %arg16[%swap3A, %swap3A_260, %swap3A_261], %swap3A_264 {strides = array<i32>} : memref<1x1024x1024xf32, #tpu.memory_space<vmem>>, vector<1x1024x1024xf32>,
    return
  }
  func.func @transform_0(%arg0: i32) -> (i32, i32, i32) {
    %jit3A = arith.constant 4 : i32
    %div3A = arith.divsi %arg0, %jit3A : i32
    %sign3A = arith.constant 0 : i32
    %sign3A_0 = arith.cmpi sgt, %arg0, %sign3A : i32
    %sign3A_1 = arith.extui %sign3A_0 : i1 to i32
    %sign3A_2 = arith.constant 0 : i32
    %sign3A_3 = arith.cmpi slt, %arg0, %sign3A_2 : i32
    %sign3A_4 = arith.extui %sign3A_3 : i1 to i32
    %sign3A_5 = arith.subi %sign3A_1, %sign3A_4 : i32
    %sign3A_6 = arith.constant 0 : i32
    %sign3A_7 = arith.cmpi sgt, %jit3A, %sign3A_6 : i32
    %sign3A_8 = arith.extui %sign3A_7 : i1 to i32
    %sign3A_9 = arith.constant 0 : i32
    %sign3A_10 = arith.cmpi slt, %jit3A, %sign3A_9 : i32
    %sign3A_11 = arith.extui %sign3A_10 : i1 to i32
    %sign3A_12 = arith.subi %sign3A_8, %sign3A_11 : i32
    %ne3A = arith.cmpi ne, %sign3A_5, %sign3A_12 : i32
    %rem3A = arith.remsi %arg0, %jit3A : i32
    %ne3A_13 = arith.constant 0 : i32
    %ne3A_14 = arith.cmpi ne, %rem3A, %ne3A_13 : i32
    %and3A = arith.andi %ne3A, %ne3A_14 : i1
    %sub3A = arith.constant 1 : i32
    %sub3A_15 = arith.subi %div3A, %sub3A : i32
    %select_n3A = arith.select %and3A, %sub3A_15, %div3A : i32
    %jit3A_16 = arith.constant 4 : i32
    %eq3A = arith.constant 0 : i32
    %eq3A_17 = arith.cmpi eq, %jit3A_16, %eq3A : i32
    %jit3A_18 = arith.constant 1 : i32
    %select_n3A_19 = arith.select %eq3A_17, %jit3A_18, %jit3A_16 : i32
    %rem3A_20 = arith.remsi %arg0, %select_n3A_19 : i32
    %ne3A_21 = arith.constant 0 : i32
    %ne3A_22 = arith.cmpi ne, %rem3A_20, %ne3A_21 : i32
    %lt3A = arith.constant 0 : i32
    %lt3A_23 = arith.cmpi slt, %rem3A_20, %lt3A : i32
    %lt3A_24 = arith.constant 0 : i32
    %lt3A_25 = arith.cmpi slt, %select_n3A_19, %lt3A_24 : i32
    %ne3A_26 = arith.xori %lt3A_23, %lt3A_25 : i1
    %and3A_27 = arith.andi %ne3A_26, %ne3A_22 : i1
    %add3A = arith.addi %rem3A_20, %select_n3A_19 : i32
    %select_n3A_28 = arith.select %and3A_27, %add3A, %rem3A_20 : i32
    %c0_i32 = arith.constant 0 : i32
    %c0_i32_29 = arith.constant 0 : i32
    return %select_n3A, %select_n3A_28, %c0_i32 : i32, i32, i32
  }
  func.func @transform_1(%arg0: i32) -> (i32, i32) {
    %c0_i32 = arith.constant 0 : i32
    %c0_i32_0 = arith.constant 0 : i32
    return %arg0, %c0_i32 : i32, i32
  }
  func.func @transform_2(%arg0: i32) -> (i32, i32) {
    %c0_i32 = arith.constant 0 : i32
    %c0_i32_0 = arith.constant 0 : i32
    %c0_i32_1 = arith.constant 0 : i32
    return %c0_i32, %c0_i32_0 : i32, i32
  }
  func.func @transform_3(%arg0: i32) -> (i32, i32) {
    %c0_i32 = arith.constant 0 : i32
    %c0_i32_0 = arith.constant 0 : i32
    %c0_i32_1 = arith.constant 0 : i32
    return %c0_i32, %c0_i32_0 : i32, i32
  }
  func.func @transform_4(%arg0: i32) -> (i32, i32) {
    %c0_i32 = arith.constant 0 : i32
    %c0_i32_0 = arith.constant 0 : i32
    %c0_i32_1 = arith.constant 0 : i32
    return %c0_i32, %c0_i32_0 : i32, i32
  }
  func.func @transform_5(%arg0: i32) -> (i32, i32) {
    %c0_i32 = arith.constant 0 : i32
    %c0_i32_0 = arith.constant 0 : i32
    %c0_i32_1 = arith.constant 0 : i32
    return %c0_i32, %c0_i32_0 : i32, i32
  }
  func.func @transform_6(%arg0: i32) -> (i32, i32) {
    %c0_i32 = arith.constant 0 : i32
    %c0_i32_0 = arith.constant 0 : i32
    %c0_i32_1 = arith.constant 0 : i32
    return %c0_i32, %c0_i32_0 : i32, i32
  }
  func.func @transform_7(%arg0: i32) -> (i32, i32) {
    %c0_i32 = arith.constant 0 : i32
    %c0_i32_0 = arith.constant 0 : i32
    %c0_i32_1 = arith.constant 0 : i32
    return %c0_i32, %c0_i32_0 : i32, i32
  }
  func.func @transform_8(%arg0: i32) -> (i32, i32) {
    %c0_i32 = arith.constant 0 : i32
    %c0_i32_0 = arith.constant 0 : i32
    %c0_i32_1 = arith.constant 0 : i32
    return %c0_i32, %c0_i32_0 : i32, i32
  }
  func.func @transform_9(%arg0: i32) -> (i32, i32) {
    %c0_i32 = arith.constant 0 : i32
    %c0_i32_0 = arith.constant 0 : i32
    %c0_i32_1 = arith.constant 0 : i32
    return %c0_i32, %c0_i32_0 : i32, i32
  }
  func.func @transform_10(%arg0: i32) -> (i32, i32) {
    %c0_i32 = arith.constant 0 : i32
    %c0_i32_0 = arith.constant 0 : i32
    %c0_i32_1 = arith.constant 0 : i32
    return %c0_i32, %c0_i32_0 : i32, i32
  }
  func.func @transform_11(%arg0: i32) -> (i32, i32) {
    %c0_i32 = arith.constant 0 : i32
    %c0_i32_0 = arith.constant 0 : i32
    %c0_i32_1 = arith.constant 0 : i32
    return %c0_i32, %c0_i32_0 : i32, i32
  }
  func.func @transform_12(%arg0: i32) -> (i32, i32) {
    %c0_i32 = arith.constant 0 : i32
    %c0_i32_0 = arith.constant 0 : i32
    %c0_i32_1 = arith.constant 0 : i32
    return %c0_i32, %c0_i32_0 : i32, i32
  }
  func.func @transform_13(%arg0: i32) -> (i32, i32) {
    %c0_i32 = arith.constant 0 : i32
    %c0_i32_0 = arith.constant 0 : i32
    %c0_i32_1 = arith.constant 0 : i32
    return %c0_i32, %c0_i32_0 : i32, i32
  }
  func.func @transform_14(%arg0: i32) -> (i32, i32) {
    %c0_i32 = arith.constant 0 : i32
    %c0_i32_0 = arith.constant 0 : i32
    %c0_i32_1 = arith.constant 0 : i32
    return %c0_i32, %c0_i32_0 : i32, i32
  }
  func.func @transform_15(%arg0: i32) -> (i32, i32, i32) {
    %jit3A = arith.constant 4 : i32
    %div3A = arith.divsi %arg0, %jit3A : i32
    %sign3A = arith.constant 0 : i32
    %sign3A_0 = arith.cmpi sgt, %arg0, %sign3A : i32
    %sign3A_1 = arith.extui %sign3A_0 : i1 to i32
    %sign3A_2 = arith.constant 0 : i32
    %sign3A_3 = arith.cmpi slt, %arg0, %sign3A_2 : i32
    %sign3A_4 = arith.extui %sign3A_3 : i1 to i32
    %sign3A_5 = arith.subi %sign3A_1, %sign3A_4 : i32
    %sign3A_6 = arith.constant 0 : i32
    %sign3A_7 = arith.cmpi sgt, %jit3A, %sign3A_6 : i32
    %sign3A_8 = arith.extui %sign3A_7 : i1 to i32
    %sign3A_9 = arith.constant 0 : i32
    %sign3A_10 = arith.cmpi slt, %jit3A, %sign3A_9 : i32
    %sign3A_11 = arith.extui %sign3A_10 : i1 to i32
    %sign3A_12 = arith.subi %sign3A_8, %sign3A_11 : i32
    %ne3A = arith.cmpi ne, %sign3A_5, %sign3A_12 : i32
    %rem3A = arith.remsi %arg0, %jit3A : i32
    %ne3A_13 = arith.constant 0 : i32
    %ne3A_14 = arith.cmpi ne, %rem3A, %ne3A_13 : i32
    %and3A = arith.andi %ne3A, %ne3A_14 : i1
    %sub3A = arith.constant 1 : i32
    %sub3A_15 = arith.subi %div3A, %sub3A : i32
    %select_n3A = arith.select %and3A, %sub3A_15, %div3A : i32
    %jit3A_16 = arith.constant 4 : i32
    %eq3A = arith.constant 0 : i32
    %eq3A_17 = arith.cmpi eq, %jit3A_16, %eq3A : i32
    %jit3A_18 = arith.constant 1 : i32
    %select_n3A_19 = arith.select %eq3A_17, %jit3A_18, %jit3A_16 : i32
    %rem3A_20 = arith.remsi %arg0, %select_n3A_19 : i32
    %ne3A_21 = arith.constant 0 : i32
    %ne3A_22 = arith.cmpi ne, %rem3A_20, %ne3A_21 : i32
    %lt3A = arith.constant 0 : i32
    %lt3A_23 = arith.cmpi slt, %rem3A_20, %lt3A : i32
    %lt3A_24 = arith.constant 0 : i32
    %lt3A_25 = arith.cmpi slt, %select_n3A_19, %lt3A_24 : i32
    %ne3A_26 = arith.xori %lt3A_23, %lt3A_25 : i1
    %and3A_27 = arith.andi %ne3A_26, %ne3A_22 : i1
    %add3A = arith.addi %rem3A_20, %select_n3A_19 : i32
    %select_n3A_28 = arith.select %and3A_27, %add3A, %rem3A_20 : i32
    %c0_i32 = arith.constant 0 : i32
    %c0_i32_29 = arith.constant 0 : i32
    return %select_n3A, %select_n3A_28, %c0_i32 : i32, i32, i32
  }
}

</mosaic_0001>

<sc_bundles>
// kernel: kernel.5.cloned.1.call-start
scs
__scs_entry_jumppad:
0x0: {  	(pc) =	sbr.rel $0x88, $3  }
0x1: {  	(tag) =	ssettag $0x0;
	lr =	simm.s32 $0x1  }
0x2: {  	[smem:$0x3F91] =	sst lr;
	_ =	strace $0xD0000000  }
0x3: {  	_ = 	snop  }
0x4: {  	_ = 	snop  }
0x5: {  	_ = 	snop  }
0x6: {  	_ = 	snop  }
0x7: {  	_ = 	snop  }
__scs_overlays_trampoline_lowered:
0x8: {  	[smem:$0x3FA0] =	sst s0  }
0x9: {  	[smem:$0x3FA1] =	sst s1  }
0xa: {  	[smem:$0x3FA2] =	sst s2  }
0xb: {  	[smem:$0x3FA3] =	sst s3  }
0xc: {  	[smem:$0x3FA4] =	sst s4  }
0xd: {  	[smem:$0x3FA5] =	sst s5  }
0xe: {  	[smem:$0x3FA6] =	sst s6  }
0xf: {  	[smem:$0x3FA7] =	sst s7  }
0x10: {  	[smem:$0x3FA8] =	sst s8  }
0x11: {  	[smem:$0x3FA9] =	sst s9;
	s0 =	simm.s32 @!p0 $0x0  }
0x12: {  	s1 =	sld [smem:$0x3F8F];
	s0 =	simm.s32 @p0 $0x1  }
0x13: {  	[smem:$0x3FAA] =	sst s0;
	s0 =	simm.s32 @!p1 $0x0  }
0x14: {  	s2 =	sld [smem:$0x3F8E];
	s0 =	simm.s32 @p1 $0x1  }
0x15: {  	[smem:$0x3FAB] =	sst s0;
	s0 =	simm.s32 @!p2 $0x0  }
0x16: {  	s3 =	sld [smem:$0x3FDB];
	s0 =	simm.s32 @p2 $0x1  }
0x17: {  	s4 =	simm.s32 $0x1BF5;
	[smem:$0x3FAD] =	sst s0  }
0x18: {  	s0 =	sld [smem:$0x3F90];
	_ =	swait.ge [sflag:s4], $0x0  }
0x19: {  	s7 =	sld [smem:$0x3F91]  }
0x1a: {  	s8 =	sadd.s32 $0xFFFFE003, lr  }
0x1b: {  	s9 =	sadd.s32 $0xFFFFFEF7, lr;
	s5 =	simm.s32 $0xFFFFFFFF;
	p2 =	slt.u32 s8, $0xFFFFF086  }
0x1c: {  	p1 =	slt.u32 s9, $0xF7A;
	s5 =	simm.s32 @!p2 $0x0  }
0x1d: {  	s5 =	simm.s32 @p1 $0x1;
	p0 =	seq.s32 s7, s2  }
0x1e: {  	s7 =	smul.u32 @!p0 $0xF7A, s2;
	p2 =	seq.s32 @!p0 s5, $0x0  }
0x1f: {  	s9 =	smul.u32 $0xF7A, s1;
	s8 =	simm.s32 @!p0 $0x1BF5;
	p2 =	por !p2, p0  }
0x20: {  	[sflag:s8] =	ssyncset.s32 @!p0 $0xFFFFF086;
	s6 =	sadd.s32 @!p0 s3, s7;
	s7 =	simm.s32 @!p0 $0x108  }
0x21: {  	s3 =	sadd.s32 s3, s9;
	s6 =	sadd.s32 @!p0 $0x88, s6;
	s7 =	simm.s32 @p2 $0x1082  }
0x22: {  	[simem:s7], [sflag:s8] =	dma.local @!p0 [hbm:s6], $0xF7A  }
0x23: {  	s9 =	sor.u32 $0xD0000000, s2;
	s6 =	simm.s32 $0x108;
	_ =	swait.ge @!p0 [sflag:s8], $0x0  }
0x24: {  	s3 =	sadd.s32 $0x88, s3;
	s6 =	simm.s32 @!p1 $0x1082;
	[sflag:s4] =	ssyncset.s32 $0xFFFFF086  }
0x25: {  	[simem:s6], [sflag:s4] =	dma.local [hbm:s3], $0xF7A  }
0x26: {  	[smem:$0x3F91] =	sst s1;
	(tag) =	ssettag s2;
	_ =	strace s9  }
0x27: {  	s1 =	sld [smem:$0x3FA1]  }
0x28: {  	s2 =	sld [smem:$0x3FA2]  }
0x29: {  	s4 =	sld [smem:$0x3FA4]  }
0x2a: {  	p0 =	seq.s32 s5, $0x0;
	s5 =	sld [smem:$0x3FA5]  }
0x2b: {  	s6 =	sld [smem:$0x3FA6]  }
0x2c: {  	s7 =	sld [smem:$0x3FA7]  }
0x2d: {  	s3 =	simm.s32 $0x108;
	s8 =	sld [smem:$0x3FA8]  }
0x2e: {  	s3 =	simm.s32 @!p0 $0x1082;
	s9 =	sld [smem:$0x3FA9]  }
0x2f: {  	lr =	sadd.s32 s0, s3;
	s0 =	sld [smem:$0x3FA0]  }
0x30: {  	s3 =	sld [smem:$0x3FA3]  }
0x31: {  	[smem:$0x3FAC] =	sst s10  }
0x32: {  	s10 =	sld [smem:$0x3FAA];
	_ =	sdelay $0x3  }
0x33: {  	p0 =	seq.s32 s10, $0x1;
	s10 =	sld [smem:$0x3FAC];
	_ =	sdelay $0x3  }
0x34: {  	[smem:$0x3FAC] =	sst s10  }
0x35: {  	s10 =	sld [smem:$0x3FAB];
	_ =	sdelay $0x3  }
0x36: {  	p1 =	seq.s32 s10, $0x1;
	s10 =	sld [smem:$0x3FAC];
	_ =	sdelay $0x3  }
0x37: {  	[smem:$0x3FAC] =	sst s10  }
0x38: {  	s10 =	sld [smem:$0x3FAD]  }
0x39: {  	_ = 	snop;
	(pc) =	sbr.ind lr, $3  }
0x3a: {  	_ = 	snop  }
0x3b: {  	_ = 	snop  }
0x3c: {  	p2 =	seq.s32 s10, $0x1;
	s10 =	sld [smem:$0x3FAC]  }
0x3d: {  	_ =	shalt  }
0x3e: {  	_ =	shalt  }
0x3f: {  	_ =	shalt  }
0x40: {  	_ =	shalt  }
0x41: {  	_ =	shalt  }
0x42: {  	_ =	shalt  }
0x43: {  	_ =	shalt  }
0x44: {  	_ =	shalt  }
0x45: {  	_ =	shalt  }
0x46: {  	_ =	shalt  }
0x47: {  	_ =	shalt  }
0x48: {  	_ =	shalt  }
0x49: {  	_ =	shalt  }
0x4a: {  	_ =	shalt  }
0x4b: {  	_ =	shalt  }
0x4c: {  	_ =	shalt  }
0x4d: {  	_ =	shalt  }
0x4e: {  	_ =	shalt  }
0x4f: {  	_ =	shalt  }
0x50: {  	_ =	shalt  }
0x51: {  	_ =	shalt  }
0x52: {  	_ =	shalt  }
0x53: {  	_ =	shalt  }
0x54: {  	_ =	shalt  }
0x55: {  	_ =	shalt  }
0x56: {  	_ =	shalt  }
0x57: {  	_ =	shalt  }
0x58: {  	_ =	shalt  }
0x59: {  	_ =	shalt  }
0x5a: {  	_ =	shalt  }
0x5b: {  	_ =	shalt  }
0x5c: {  	_ =	shalt  }
0x5d: {  	_ =	shalt  }
0x5e: {  	_ =	shalt  }
0x5f: {  	_ =	shalt  }
0x60: {  	_ =	shalt  }
0x61: {  	_ =	shalt  }
0x62: {  	_ =	shalt  }
0x63: {  	_ =	shalt  }
0x64: {  	_ =	shalt  }
0x65: {  	_ =	shalt  }
0x66: {  	_ =	shalt  }
0x67: {  	_ =	shalt  }
0x68: {  	_ =	shalt  }
0x69: {  	_ =	shalt  }
0x6a: {  	_ =	shalt  }
0x6b: {  	_ =	shalt  }
0x6c: {  	_ =	shalt  }
0x6d: {  	_ =	shalt  }
0x6e: {  	_ =	shalt  }
0x6f: {  	_ =	shalt  }
0x70: {  	_ =	shalt  }
0x71: {  	_ =	shalt  }
0x72: {  	_ =	shalt  }
0x73: {  	_ =	shalt  }
0x74: {  	_ =	shalt  }
0x75: {  	_ =	shalt  }
0x76: {  	_ =	shalt  }
0x77: {  	_ =	shalt  }
0x78: {  	_ =	shalt  }
0x79: {  	_ =	shalt  }
0x7a: {  	_ =	shalt  }
0x7b: {  	_ =	shalt  }
0x7c: {  	_ =	shalt  }
0x7d: {  	_ =	shalt  }
0x7e: {  	_ =	shalt  }
0x7f: {  	_ =	shalt  }
0x80: {  	_ =	shalt  }
0x81: {  	_ =	shalt  }
0x82: {  	_ =	shalt  }
0x83: {  	_ =	shalt  }
0x84: {  	_ =	shalt  }
0x85: {  	_ =	shalt  }
0x86: {  	_ =	shalt  }
0x87: {  	_ =	shalt  }
.Lfunc_end0:
.L_simem_size_0:
called_computation_lowered:
.L_overlay_start_0:
0x88: {  	s2 =	sld [smem:$0x3FD9]  }
0x89: {  	s3 =	sld [smem:$0x3FFE];
	_ =	sdelay $0x1  }
0x8a: {  	s1 =	srdreg.scid  }
0x8b: {  	s0 =	sand.u32 $0x1, s1  }
0x8c: {  	s17 =	sshll.u32 s0, $0xA;
	s2 =	sadd.s32 s3, s2  }
0x8d: {  	s2 =	sadd.s32 s2, s17  }
0x8e: {  	[smem:$0x3FB8] =	sst s2  }
0x8f: {  	_ = 	snop  }
0x90: {  	s2 =	sld [smem:$0x3FC9]  }
0x91: {  	s18 =	sld [smem:$0x3FD0];
	(tm) =	ssettm $0x1  }
0x92: {  	s4 =	sld [smem:$0x3FFB];
	_ =	sdelay $0x3  }
0x93: {  	_ =	strace s4  }
0x94: {  	s4 =	sld [smem:$0x3FFC];
	_ =	sdelay $0x3  }
0x95: {  	_ =	strace s4  }
0x96: {  	s4 =	sld [smem:$0x3FFD];
	_ =	sdelay $0x3  }
0x97: {  	_ =	strace s4  }
0x98: {  	_ =	strace $0x8FFFFFFF  }
0x99: {  	s19 =	sld [smem:$0x3FDB];
	_ =	sdelay $0x1  }
0x9a: {  	s5 =	simm.s32 $_scs_section_size  }
0x9b: {  	s6 =	simm.s32 $_size__tile_overlayer_lowered;
	s7 =	simm.s32 $_tile_overlayer_lowered  }
0x9c: {  	s22 =	simm.s32 $0x1BFF;
	s21 =	sshll.u32 s7, $0x1;
	s4 =	sadd.s32 s5, s19  }
0x9d: {  	s8 =	simm.s32 $0x0;
	s20 =	sshll.u32 s6, $0x1;
	s6 =	sadd.s32 s21, s4  }
0x9e: {  	[timem:s8], [sflag:s22] =	dma.local [hbm:s6], s20  }
0x9f: {  	_ =	swait.ge [sflag:s22], s20  }
0xa0: {  	s5 =	ssub.s32 $0x0, s20;
	[sflag:s22] =	ssyncset.done $0x0  }
0xa1: {  	[sflag:s22] =	ssyncadd.s32 s5;
	_ =	sdelay $0x1  }
0xa2: {  	s23 =	simm.s32 $0x1B8B  }
0xa3: {  	_ =	swait.ge [sflag:s23], $0x1  }
0xa4: {  	[sflag:s23] =	ssyncset.done $0x0  }
0xa5: {  	s25 =	simm.s32 $0x1B8E;
	s24 =	sld [smem:$0x3FFE];
	[sflag:s23] =	ssyncadd.s32 $0xFFFFFFFF  }
0xa6: {  	s26 =	simm.s32 $execute0_lowered;
	[smem:$0x3FD2] =	sst s25  }
0xa7: {  	s6 =	sshll.u32 s26, $0x1;
	_ =	strace $0x80000046;
	[dreg:$0x1] =	wrdreg $0xFFFFFFFF  }
0xa8: {  	s28 =	simm.s32 $_size_execute0_lowered;
	s4 =	sadd.s32 s4, s6;
	[dreg:$0x0] =	wrdreg $0x0  }
0xa9: {  	s6 =	sshll.u32 s28, $0x1;
	[dreg:$0x2] =	wrdreg s4  }
0xaa: {  	[dreg:$0x3] =	wrdreg s6  }
0xab: {  	[dreg:$0x4] =	wrdreg $0xC0  }
0xac: {  	_ =	task [dreg:s8], $0x5FFFF  }
0xad: {  	[dreg:$0x1] =	wrdreg $0xFFFFFFFF  }
0xae: {  	[dreg:$0x0] =	wrdreg $0x60  }
0xaf: {  	[dreg:$0x2] =	wrdreg s2  }
0xb0: {  	[dreg:$0x3] =	wrdreg s18  }
0xb1: {  	[dreg:$0x4] =	wrdreg s24  }
0xb2: {  	[dreg:$0x5] =	wrdreg $0x9  }
0xb3: {  	_ =	task.clear_ibuf [dreg:s8], $0x6FFFF;
	_ =	strace $0x90000046  }
0xb4: {  	s29 =	simm.s32 $0x9;
	_ =	strace $0x80000048  }
0xb5: {  	_ =	swait.ge [sflag:s29], $0x1  }
0xb6: {  	[sflag:s29] =	ssyncadd.s32 $0xFFFFFFFF  }
0xb7: {  	_ =	strace $0x90000048  }
0xb8: {  	_ =	sfence  }
0xb9: {  	s30 =	sld [smem:$0x0];
	_ =	sdelay $0x2  }
0xba: {  	s31 =	sshll.u32 s1, $0xD;
	s1 =	sshrl.u32 s1, $0x2  }
0xbb: {  	s3 =	sand.u32 $0x4000, s31;
	s1 =	sadd.s32 s1, s30  }
0xbc: {  	s0 =	sor.u32 s3, s0;
	s1 =	sshll.u32 s1, $0x11  }
0xbd: {  	s0 =	sor.u32 s1, s0  }
0xbe: {  	s0 =	sadd.s32 $0x8F2B, s0  }
0xbf: {  	[sflag:s0] =	ssyncadd.remote.s32 $0x1  }
0xc0: {  	_ =	sfence.sel $0xFFFF  }
0xc1: {  	[dreg:$0x0] =	wrdreg $0xFFFFFFFF;
	(pc) =	sbr.abs _section_cstart, $3  }
0xc2: {  	[dreg:$0x1] =	wrdreg $0xFFFFFFFF  }
0xc3: {  	_ =	task.clear_ibuf [dreg:s8], $0x2FFFF;
	_ =	strace $0x9FFFFFFF  }
0xc4: {  	(tm) =	ssettm $0x7FFFFFFF  }
0xc5: {  	_ =	shalt  }
tec
execute0_lowered:
.L_overlay_start_1:
0x0: {  	(tag) =	ssettag $0x1  }
0x1: {  	s0 =	rddreg [dreg:$0x0]  }
0x2: {  	s1 =	rddreg [dreg:$0x1];
	s2 =	srdreg.scid  }
0x3: {  	s4 =	rddreg [dreg:$0x2];
	s5 =	sand.u32 $0x1, s2;
	s2 =	simm.s32 $0x0  }
0x4: {  	s18 =	simm.s32 $0x8A00;
	[smem:$0x7FF] =	sst s2  }
0x5: {  	s19 =	simm.s32 $0x9200;
	_ =	strace $0x80000047;
	[dreg:$0x9] =	wrdreg s18  }
0x6: {  	s20 =	simm.s32 $0x9A00;
	[dreg:$0xa] =	wrdreg s19  }
0x7: {  	s21 =	simm.s32 $0xA200;
	[dreg:$0xb] =	wrdreg s20  }
0x8: {  	s3 =	stileid.u32;
	s22 =	simm.s32 $0xAA00;
	[dreg:$0xc] =	wrdreg s21  }
0x9: {  	s23 =	simm.s32 $0xB200;
	s25 =	simm.s32 $0xBA00;
	[dreg:$0xd] =	wrdreg s22  }
0xa: {  	s26 =	simm.s32 $0xC200;
	s7 =	simm.s32 $0xDA00;
	[dreg:$0xe] =	wrdreg s23  }
0xb: {  	s8 =	simm.s32 $0xE200;
	s9 =	simm.s32 $0xEA00;
	[dreg:$0xf] =	wrdreg s25  }
0xc: {  	s10 =	simm.s32 $0xF200;
	s11 =	simm.s32 $0xFA00;
	[dreg:$0x10] =	wrdreg s26  }
0xd: {  	s12 =	simm.s32 $0x10A00;
	s13 =	simm.s32 $0x11200;
	[dreg:$0x13] =	wrdreg s7  }
0xe: {  	s14 =	simm.s32 $0x11A00;
	s30 =	simm.s32 $0x3;
	[dreg:$0x14] =	wrdreg s8  }
0xf: {  	s31 =	simm.s32 $0x4;
	s28 =	simm.s32 $0x6A00;
	[dreg:$0x15] =	wrdreg s9  }
0x10: {  	s29 =	simm.s32 $0x7A00;
	s3 =	sshll.u32 s3, $0x1;
	[dreg:$0x16] =	wrdreg s10  }
0x11: {  	s3 =	sor.u32 s5, s3;
	s24 =	ssub.s32 $0x2, s5;
	[dreg:$0x17] =	wrdreg s11  }
0x12: {  	s6 =	sshll.u32 s3, $0x6;
	s3 =	sshll.u32 s3, $0xF;
	[dreg:$0x18] =	wrdreg s12  }
0x13: {  	s5 =	sshrl.u32 s24, $0x1;
	s7 =	simm.s32 $0x1000;
	[dreg:$0x19] =	wrdreg s13  }
0x14: {  	s8 =	simm.s32 $0x2000;
	[dreg:$0x1a] =	wrdreg s14;
	s18 =	simm.s32 $0x13A00  }
0x15: {  	s9 =	simm.s32 $0x200;
	s19 =	simm.s32 $0x14200;
	[dreg:$0x1e] =	wrdreg s18  }
0x16: {  	s12 =	simm.s32 $0x1;
	s20 =	simm.s32 $0x14A00;
	[dreg:$0x1f] =	wrdreg s19  }
0x17: {  	s21 =	simm.s32 $0x15200;
	s22 =	simm.s32 $0x15A00;
	[smem:$0x7F7] =	sst s20  }
0x18: {  	s23 =	simm.s32 $0x16200;
	s25 =	simm.s32 $0x17200;
	[smem:$0x7F8] =	sst s21  }
0x19: {  	s26 =	simm.s32 $0x17A00;
	s13 =	simm.s32 $0x8200;
	[smem:$0x7F9] =	sst s22  }
0x1a: {  	s14 =	simm.s32 $0x10200;
	s1 =	sadd.s32 s1, s6;
	[smem:$0x7FA] =	sst s23  }
0x1b: {  	s0 =	sadd.s32 s3, s0;
	s3 =	sadd.s32 $0x1600, s4;
	[smem:$0x7FC] =	sst s25  }
0x1c: {  	s4 =	sadd.s32 $0x1700, s4;
	s6 =	simm.s32 $0xD200;
	[smem:$0x7FD] =	sst s26  }
0x1d: {  	s18 =	simm.s32 $0x2200;
	s19 =	simm.s32 $0x2A00;
	[dreg:$0x4] =	wrdreg s1  }
0x1e: {  	s20 =	simm.s32 $0x3200;
	s15 =	sadd.s32 $0x200, s0;
	[dreg:$0x12] =	wrdreg s6  }
0x1f: {  	s21 =	simm.s32 $0x3A00;
	s16 =	sadd.s32 $0x2200, s0;
	[dreg:$0x5] =	wrdreg s15  }
0x20: {  	s22 =	simm.s32 $0x4200;
	s17 =	sadd.s32 $0x4200, s0;
	[dreg:$0x6] =	wrdreg s16  }
0x21: {  	s23 =	simm.s32 $0x4A00;
	s0 =	sadd.s32 $0x6200, s0;
	[dreg:$0x7] =	wrdreg s17  }
0x22: {  	s1 =	ssub.s32 s24, s5;
	s5 =	simm.s32 $0xCA00;
	[dreg:$0x8] =	wrdreg s0  }
0x23: {  	s25 =	simm.s32 $0x5A00;
	s24 =	simm.s32 $0x16A00;
	[dreg:$0x11] =	wrdreg s5  }
0x24: {  	s26 =	simm.s32 $0x6200;
	s15 =	simm.s32 $0x12200;
	[smem:$0x7FB] =	sst s24  }
0x25: {  	s5 =	smax.u32 s1, $0x1;
	s16 =	simm.s32 $0x12A00;
	[dreg:$0x1b] =	wrdreg s15  }
0x26: {  	v2 =	vlaneseq.u32;
	s17 =	simm.s32 $0x13200;
	s1 =	simm.s32 $0x5;
	[dreg:$0x1c] =	wrdreg s16  }
0x27: {  	vm0 =	vmmov $0xffff;
	v1 =	vshrl.u32 v2, $0x3;
	s0 =	simm.s32 $0x6;
	s24 =	simm.s32 $0x5200;
	[dreg:$0x1d] =	wrdreg s17  }
0x28: {  	v0 =	vand.u32 $0x7, v2;
	v2 =	vor.u32 $0x8, v2;
	v1 =	vmul.u32 $0x8, v1;
	s15 =	simm.s32 $0xA00;
	s16 =	simm.s32 $0x1200;
	s17 =	simm.s32 $0x1A00  }
.LBB2_1:
0x29: {  	s10 =	rddreg [dreg:$0x4];
	s6 =	simm.s32 $0x7  }
0x2a: {  	[tilespmem:s2], [sflag:$0x7] =	stream.linear.gather [hbm4b:s10+s2], $0x200, $0x38;
	[tilespmem:$0x18200] =	vst v63  }
0x2b: {  	_ =	swait.ge [sflag:s6], $0x200  }
0x2c: {  	[sflag:s6] =	ssyncset.done $0x0  }
0x2d: {  	s10 =	rddreg [dreg:$0x5];
	[sflag:s6] =	ssyncadd.s32 $0xFFFFFE00  }
0x2e: {  	[tilespmem:s9], [sflag:$0x1] =	stream.strided.gather [hbm4b:s10+s7], $0x8000, s8, s7, $0x38;
	[tilespmem:$0x18200] =	vst v63  }
0x2f: {  	s11 =	rddreg [dreg:$0x6]  }
0x30: {  	[tilespmem:s13], [sflag:$0x2] =	stream.strided.gather [hbm4b:s11+s7], $0x8000, s8, s7, $0x38;
	[tilespmem:$0x18200] =	vst v63  }
0x31: {  	s6 =	rddreg [dreg:$0x7]  }
0x32: {  	[tilespmem:s14], [sflag:$0x3] =	stream.strided.gather [hbm4b:s6+s7], $0x8000, s8, s7, $0x38;
	[tilespmem:$0x18200] =	vst v63  }
0x33: {  	_ =	swait.ge [sflag:s12], $0x8000  }
0x34: {  	[sflag:s12] =	ssyncset.done $0x0  }
0x35: {  	[sflag:s12] =	ssyncadd.s32 $0xFFFF8000  }
0x36: {  	v3 =	vld [tilespmem:$0x0];
	_ =	sdelay $0x4  }
0x37: {  	v4 =	vshll.u32 v3, $0x2  }
0x38: {  	v3 =	vand.u32 $0x7, v3;
	v4 =	vand.u32 $0xFFFFFFE0, v4  }
0x39: {  	v3 =	vor.u32 v3, v4  }
0x3a: {  	v4 =	vperm.xlane v3, v0;
	_ =	sdelay $0x1  }
0x3b: {  	v4 =	vadd.s32 v1, v4;
	_ =	sdelay $0x1  }
0x3c: {  	v3 =	vperm.xlane v3, v2;
	_ =	sdelay $0x1  }
0x3d: {  	v3 =	vadd.s32 v1, v3  }
0x3e: {  	[hbm4b:s3+s2] =	stream.indirect_vreg.scatter [tilespmem:s9], [sflag:$0x4], $0x80, v4, vm0, $0xb8;
	[tilespmem:$0x18200] =	vst v63  }
0x3f: {  	_ = 	snop  }
0x40: {  	[hbm4b:s4+s2] =	stream.indirect_vreg.scatter [tilespmem:s15], [sflag:$0x4], $0x80, v4, vm0, $0xb8;
	[tilespmem:$0x18200] =	vst v63  }
0x41: {  	_ = 	snop  }
0x42: {  	[hbm4b:s3+s2] =	stream.indirect_vreg.scatter [tilespmem:s16], [sflag:$0x4], $0x80, v3, vm0, $0xb8;
	[tilespmem:$0x18200] =	vst v63  }
0x43: {  	_ = 	snop  }
0x44: {  	[hbm4b:s4+s2] =	stream.indirect_vreg.scatter [tilespmem:s17], [sflag:$0x4], $0x80, v3, vm0, $0xb8;
	[tilespmem:$0x18200] =	vst v63  }
0x45: {  	v3 =	vld [tilespmem:$0x10];
	_ =	sdelay $0x4  }
0x46: {  	v49 =	vshll.u32 v3, $0x2  }
0x47: {  	v3 =	vand.u32 $0x7, v3;
	v4 =	vand.u32 $0xFFFFFFE0, v49  }
0x48: {  	v3 =	vor.u32 v3, v4  }
0x49: {  	v4 =	vperm.xlane v3, v0;
	_ =	sdelay $0x1  }
0x4a: {  	v4 =	vadd.s32 v1, v4;
	_ =	sdelay $0x1  }
0x4b: {  	v3 =	vperm.xlane v3, v2;
	_ =	sdelay $0x1  }
0x4c: {  	v3 =	vadd.s32 v1, v3  }
0x4d: {  	[hbm4b:s3+s2] =	stream.indirect_vreg.scatter [tilespmem:s18], [sflag:$0x4], $0x80, v4, vm0, $0xb8;
	[tilespmem:$0x18200] =	vst v63  }
0x4e: {  	_ = 	snop  }
0x4f: {  	[hbm4b:s4+s2] =	stream.indirect_vreg.scatter [tilespmem:s19], [sflag:$0x4], $0x80, v4, vm0, $0xb8;
	[tilespmem:$0x18200] =	vst v63  }
0x50: {  	_ = 	snop  }
0x51: {  	[hbm4b:s3+s2] =	stream.indirect_vreg.scatter [tilespmem:s20], [sflag:$0x4], $0x80, v3, vm0, $0xb8;
	[tilespmem:$0x18200] =	vst v63  }
0x52: {  	_ = 	snop  }
0x53: {  	[hbm4b:s4+s2] =	stream.indirect_vreg.scatter [tilespmem:s21], [sflag:$0x4], $0x80, v3, vm0, $0xb8;
	[tilespmem:$0x18200] =	vst v63  }
0x54: {  	v3 =	vld [tilespmem:$0x20];
	_ =	sdelay $0x4  }
0x55: {  	v50 =	vshll.u32 v3, $0x2  }
0x56: {  	v3 =	vand.u32 $0x7, v3;
	v4 =	vand.u32 $0xFFFFFFE0, v50  }
0x57: {  	v3 =	vor.u32 v3, v4  }
0x58: {  	v4 =	vperm.xlane v3, v0;
	_ =	sdelay $0x1  }
0x59: {  	v4 =	vadd.s32 v1, v4;
	_ =	sdelay $0x1  }
0x5a: {  	v3 =	vperm.xlane v3, v2;
	_ =	sdelay $0x1  }
0x5b: {  	v3 =	vadd.s32 v1, v3  }
0x5c: {  	[hbm4b:s3+s2] =	stream.indirect_vreg.scatter [tilespmem:s22], [sflag:$0x4], $0x80, v4, vm0, $0xb8;
	[tilespmem:$0x18200] =	vst v63  }
0x5d: {  	_ = 	snop  }
0x5e: {  	[hbm4b:s4+s2] =	stream.indirect_vreg.scatter [tilespmem:s23], [sflag:$0x4], $0x80, v4, vm0, $0xb8;
	[tilespmem:$0x18200] =	vst v63  }
0x5f: {  	_ = 	snop  }
0x60: {  	[hbm4b:s3+s2] =	stream.indirect_vreg.scatter [tilespmem:s24], [sflag:$0x4], $0x80, v3, vm0, $0xb8;
	[tilespmem:$0x18200] =	vst v63  }
0x61: {  	_ = 	snop  }
0x62: {  	[hbm4b:s4+s2] =	stream.indirect_vreg.scatter [tilespmem:s25], [sflag:$0x4], $0x80, v3, vm0, $0xb8;
	[tilespmem:$0x18200] =	vst v63  }
0x63: {  	v3 =	vld [tilespmem:$0x30];
	_ =	sdelay $0x4  }
0x64: {  	v51 =	vshll.u32 v3, $0x2  }
0x65: {  	v3 =	vand.u32 $0x7, v3;
	v4 =	vand.u32 $0xFFFFFFE0, v51  }
0x66: {  	v3 =	vor.u32 v3, v4  }
0x67: {  	v4 =	vperm.xlane v3, v0;
	_ =	sdelay $0x1  }
0x68: {  	v4 =	vadd.s32 v1, v4;
	_ =	sdelay $0x1  }
0x69: {  	v3 =	vperm.xlane v3, v2;
	_ =	sdelay $0x1  }
0x6a: {  	v3 =	vadd.s32 v1, v3  }
0x6b: {  	[hbm4b:s3+s2] =	stream.indirect_vreg.scatter [tilespmem:s26], [sflag:$0x4], $0x80, v4, vm0, $0xb8;
	[tilespmem:$0x18200] =	vst v63  }
0x6c: {  	_ = 	snop  }
0x6d: {  	[hbm4b:s4+s2] =	stream.indirect_vreg.scatter [tilespmem:s28], [sflag:$0x4], $0x80, v4, vm0, $0xb8;
	[tilespmem:$0x18200] =	vst v63  }
0x6e: {  	s6 =	simm.s32 $0x7200  }
0x6f: {  	[hbm4b:s3+s2] =	stream.indirect_vreg.scatter [tilespmem:s6], [sflag:$0x4], $0x80, v3, vm0, $0xb8;
	[tilespmem:$0x18200] =	vst v63  }
0x70: {  	s11 =	simm.s32 $0x2  }
0x71: {  	[hbm4b:s4+s2] =	stream.indirect_vreg.scatter [tilespmem:s29], [sflag:$0x4], $0x80, v3, vm0, $0xb8;
	[tilespmem:$0x18200] =	vst v63  }
0x72: {  	_ =	swait.ge [sflag:s11], $0x8000  }
0x73: {  	[sflag:s11] =	ssyncset.done $0x0  }
0x74: {  	[sflag:s11] =	ssyncadd.s32 $0xFFFF8000  }
0x75: {  	v3 =	vld [tilespmem:$0x80];
	_ =	sdelay $0x4  }
0x76: {  	v52 =	vshll.u32 v3, $0x2  }
0x77: {  	v3 =	vand.u32 $0x7, v3;
	v4 =	vand.u32 $0xFFFFFFE0, v52  }
0x78: {  	v3 =	vor.u32 v3, v4  }
0x79: {  	v4 =	vperm.xlane v3, v0;
	_ =	sdelay $0x1  }
0x7a: {  	v4 =	vadd.s32 v1, v4;
	_ =	sdelay $0x1  }
0x7b: {  	v3 =	vperm.xlane v3, v2;
	_ =	sdelay $0x1  }
0x7c: {  	v3 =	vadd.s32 v1, v3  }
0x7d: {  	[hbm4b:s3+s2] =	stream.indirect_vreg.scatter [tilespmem:s13], [sflag:$0x5], $0x80, v4, vm0, $0xb8;
	[tilespmem:$0x18200] =	vst v63  }
0x7e: {  	s10 =	rddreg [dreg:$0x9]  }
0x7f: {  	[hbm4b:s4+s2] =	stream.indirect_vreg.scatter [tilespmem:s10], [sflag:$0x5], $0x80, v4, vm0, $0xb8;
	[tilespmem:$0x18200] =	vst v63  }
0x80: {  	s11 =	rddreg [dreg:$0xa]  }
0x81: {  	[hbm4b:s3+s2] =	stream.indirect_vreg.scatter [tilespmem:s11], [sflag:$0x5], $0x80, v3, vm0, $0xb8;
	[tilespmem:$0x18200] =	vst v63  }
0x82: {  	s10 =	rddreg [dreg:$0xb]  }
0x83: {  	[hbm4b:s4+s2] =	stream.indirect_vreg.scatter [tilespmem:s10], [sflag:$0x5], $0x80, v3, vm0, $0xb8;
	[tilespmem:$0x18200] =	vst v63  }
0x84: {  	v3 =	vld [tilespmem:$0x90];
	_ =	sdelay $0x4  }
0x85: {  	v53 =	vshll.u32 v3, $0x2  }
0x86: {  	v3 =	vand.u32 $0x7, v3;
	v4 =	vand.u32 $0xFFFFFFE0, v53  }
0x87: {  	v3 =	vor.u32 v3, v4  }
0x88: {  	v4 =	vperm.xlane v3, v0;
	_ =	sdelay $0x1  }
0x89: {  	v4 =	vadd.s32 v1, v4;
	_ =	sdelay $0x1  }
0x8a: {  	v3 =	vperm.xlane v3, v2;
	_ =	sdelay $0x1  }
0x8b: {  	s10 =	rddreg [dreg:$0xc];
	v3 =	vadd.s32 v1, v3  }
0x8c: {  	[hbm4b:s3+s2] =	stream.indirect_vreg.scatter [tilespmem:s10], [sflag:$0x5], $0x80, v4, vm0, $0xb8;
	[tilespmem:$0x18200] =	vst v63  }
0x8d: {  	s11 =	rddreg [dreg:$0xd]  }
0x8e: {  	[hbm4b:s4+s2] =	stream.indirect_vreg.scatter [tilespmem:s11], [sflag:$0x5], $0x80, v4, vm0, $0xb8;
	[tilespmem:$0x18200] =	vst v63  }
0x8f: {  	s10 =	rddreg [dreg:$0xe]  }
0x90: {  	[hbm4b:s3+s2] =	stream.indirect_vreg.scatter [tilespmem:s10], [sflag:$0x5], $0x80, v3, vm0, $0xb8;
	[tilespmem:$0x18200] =	vst v63  }
0x91: {  	s11 =	rddreg [dreg:$0xf]  }
0x92: {  	[hbm4b:s4+s2] =	stream.indirect_vreg.scatter [tilespmem:s11], [sflag:$0x5], $0x80, v3, vm0, $0xb8;
	[tilespmem:$0x18200] =	vst v63  }
0x93: {  	v3 =	vld [tilespmem:$0xA0];
	_ =	sdelay $0x4  }
0x94: {  	v54 =	vshll.u32 v3, $0x2  }
0x95: {  	v3 =	vand.u32 $0x7, v3;
	v4 =	vand.u32 $0xFFFFFFE0, v54  }
0x96: {  	v3 =	vor.u32 v3, v4  }
0x97: {  	v4 =	vperm.xlane v3, v0;
	_ =	sdelay $0x1  }
0x98: {  	v4 =	vadd.s32 v1, v4;
	_ =	sdelay $0x1  }
0x99: {  	v3 =	vperm.xlane v3, v2;
	_ =	sdelay $0x1  }
0x9a: {  	s10 =	rddreg [dreg:$0x10];
	v3 =	vadd.s32 v1, v3  }
0x9b: {  	[hbm4b:s3+s2] =	stream.indirect_vreg.scatter [tilespmem:s10], [sflag:$0x5], $0x80, v4, vm0, $0xb8;
	[tilespmem:$0x18200] =	vst v63  }
0x9c: {  	s11 =	rddreg [dreg:$0x11]  }
0x9d: {  	[hbm4b:s4+s2] =	stream.indirect_vreg.scatter [tilespmem:s11], [sflag:$0x5], $0x80, v4, vm0, $0xb8;
	[tilespmem:$0x18200] =	vst v63  }
0x9e: {  	s10 =	rddreg [dreg:$0x12]  }
0x9f: {  	[hbm4b:s3+s2] =	stream.indirect_vreg.scatter [tilespmem:s10], [sflag:$0x5], $0x80, v3, vm0, $0xb8;
	[tilespmem:$0x18200] =	vst v63  }
0xa0: {  	s11 =	rddreg [dreg:$0x13]  }
0xa1: {  	[hbm4b:s4+s2] =	stream.indirect_vreg.scatter [tilespmem:s11], [sflag:$0x5], $0x80, v3, vm0, $0xb8;
	[tilespmem:$0x18200] =	vst v63  }
0xa2: {  	v3 =	vld [tilespmem:$0xB0];
	_ =	sdelay $0x4  }
0xa3: {  	v55 =	vshll.u32 v3, $0x2  }
0xa4: {  	v3 =	vand.u32 $0x7, v3;
	v4 =	vand.u32 $0xFFFFFFE0, v55  }
0xa5: {  	v3 =	vor.u32 v3, v4  }
0xa6: {  	v4 =	vperm.xlane v3, v0;
	_ =	sdelay $0x1  }
0xa7: {  	v4 =	vadd.s32 v1, v4;
	_ =	sdelay $0x1  }
0xa8: {  	v3 =	vperm.xlane v3, v2;
	_ =	sdelay $0x1  }
0xa9: {  	s10 =	rddreg [dreg:$0x14];
	v3 =	vadd.s32 v1, v3  }
0xaa: {  	[hbm4b:s3+s2] =	stream.indirect_vreg.scatter [tilespmem:s10], [sflag:$0x5], $0x80, v4, vm0, $0xb8;
	[tilespmem:$0x18200] =	vst v63  }
0xab: {  	s11 =	rddreg [dreg:$0x15]  }
0xac: {  	[hbm4b:s4+s2] =	stream.indirect_vreg.scatter [tilespmem:s11], [sflag:$0x5], $0x80, v4, vm0, $0xb8;
	[tilespmem:$0x18200] =	vst v63  }
0xad: {  	s10 =	rddreg [dreg:$0x16]  }
0xae: {  	[hbm4b:s3+s2] =	stream.indirect_vreg.scatter [tilespmem:s10], [sflag:$0x5], $0x80, v3, vm0, $0xb8;
	[tilespmem:$0x18200] =	vst v63  }
0xaf: {  	s11 =	rddreg [dreg:$0x17]  }
0xb0: {  	[hbm4b:s4+s2] =	stream.indirect_vreg.scatter [tilespmem:s11], [sflag:$0x5], $0x80, v3, vm0, $0xb8;
	[tilespmem:$0x18200] =	vst v63  }
0xb1: {  	_ =	swait.ge [sflag:s30], $0x8000  }
0xb2: {  	[sflag:s30] =	ssyncset.done $0x0  }
0xb3: {  	[sflag:s30] =	ssyncadd.s32 $0xFFFF8000  }
0xb4: {  	v3 =	vld [tilespmem:$0x100];
	_ =	sdelay $0x4  }
0xb5: {  	v56 =	vshll.u32 v3, $0x2  }
0xb6: {  	v3 =	vand.u32 $0x7, v3;
	v4 =	vand.u32 $0xFFFFFFE0, v56  }
0xb7: {  	v3 =	vor.u32 v3, v4  }
0xb8: {  	v4 =	vperm.xlane v3, v0;
	_ =	sdelay $0x1  }
0xb9: {  	v4 =	vadd.s32 v1, v4;
	_ =	sdelay $0x1  }
0xba: {  	v3 =	vperm.xlane v3, v2;
	_ =	sdelay $0x1  }
0xbb: {  	v3 =	vadd.s32 v1, v3  }
0xbc: {  	[hbm4b:s3+s2] =	stream.indirect_vreg.scatter [tilespmem:s14], [sflag:$0x6], $0x80, v4, vm0, $0xb8;
	[tilespmem:$0x18200] =	vst v63  }
0xbd: {  	s10 =	rddreg [dreg:$0x18]  }
0xbe: {  	[hbm4b:s4+s2] =	stream.indirect_vreg.scatter [tilespmem:s10], [sflag:$0x6], $0x80, v4, vm0, $0xb8;
	[tilespmem:$0x18200] =	vst v63  }
0xbf: {  	s11 =	rddreg [dreg:$0x19]  }
0xc0: {  	[hbm4b:s3+s2] =	stream.indirect_vreg.scatter [tilespmem:s11], [sflag:$0x6], $0x80, v3, vm0, $0xb8;
	[tilespmem:$0x18200] =	vst v63  }
0xc1: {  	s10 =	rddreg [dreg:$0x1a]  }
0xc2: {  	[hbm4b:s4+s2] =	stream.indirect_vreg.scatter [tilespmem:s10], [sflag:$0x6], $0x80, v3, vm0, $0xb8;
	[tilespmem:$0x18200] =	vst v63  }
0xc3: {  	v3 =	vld [tilespmem:$0x110];
	_ =	sdelay $0x4  }
0xc4: {  	v57 =	vshll.u32 v3, $0x2  }
0xc5: {  	v3 =	vand.u32 $0x7, v3;
	v4 =	vand.u32 $0xFFFFFFE0, v57  }
0xc6: {  	v3 =	vor.u32 v3, v4  }
0xc7: {  	v4 =	vperm.xlane v3, v0;
	_ =	sdelay $0x1  }
0xc8: {  	v4 =	vadd.s32 v1, v4;
	_ =	sdelay $0x1  }
0xc9: {  	v3 =	vperm.xlane v3, v2;
	_ =	sdelay $0x1  }
0xca: {  	s10 =	rddreg [dreg:$0x1b];
	v3 =	vadd.s32 v1, v3  }
0xcb: {  	[hbm4b:s3+s2] =	stream.indirect_vreg.scatter [tilespmem:s10], [sflag:$0x6], $0x80, v4, vm0, $0xb8;
	[tilespmem:$0x18200] =	vst v63  }
0xcc: {  	s11 =	rddreg [dreg:$0x1c]  }
0xcd: {  	[hbm4b:s4+s2] =	stream.indirect_vreg.scatter [tilespmem:s11], [sflag:$0x6], $0x80, v4, vm0, $0xb8;
	[tilespmem:$0x18200] =	vst v63  }
0xce: {  	s10 =	rddreg [dreg:$0x1d]  }
0xcf: {  	[hbm4b:s3+s2] =	stream.indirect_vreg.scatter [tilespmem:s10], [sflag:$0x6], $0x80, v3, vm0, $0xb8;
	[tilespmem:$0x18200] =	vst v63  }
0xd0: {  	s11 =	rddreg [dreg:$0x1e]  }
0xd1: {  	[hbm4b:s4+s2] =	stream.indirect_vreg.scatter [tilespmem:s11], [sflag:$0x6], $0x80, v3, vm0, $0xb8;
	[tilespmem:$0x18200] =	vst v63  }
0xd2: {  	v3 =	vld [tilespmem:$0x120];
	_ =	sdelay $0x4  }
0xd3: {  	v58 =	vshll.u32 v3, $0x2  }
0xd4: {  	v3 =	vand.u32 $0x7, v3;
	v4 =	vand.u32 $0xFFFFFFE0, v58  }
0xd5: {  	v3 =	vor.u32 v3, v4  }
0xd6: {  	v4 =	vperm.xlane v3, v0;
	_ =	sdelay $0x1  }
0xd7: {  	v4 =	vadd.s32 v1, v4;
	_ =	sdelay $0x1  }
0xd8: {  	v3 =	vperm.xlane v3, v2  }
0xd9: {  	s10 =	rddreg [dreg:$0x1f]  }
0xda: {  	s11 =	sld [smem:$0x7F7];
	v3 =	vadd.s32 v1, v3  }
0xdb: {  	[hbm4b:s3+s2] =	stream.indirect_vreg.scatter [tilespmem:s10], [sflag:$0x6], $0x80, v4, vm0, $0xb8;
	[tilespmem:$0x18200] =	vst v63  }
0xdc: {  	s10 =	sld [smem:$0x7F8]  }
0xdd: {  	[hbm4b:s4+s2] =	stream.indirect_vreg.scatter [tilespmem:s11], [sflag:$0x6], $0x80, v4, vm0, $0xb8;
	[tilespmem:$0x18200] =	vst v63  }
0xde: {  	s11 =	sld [smem:$0x7F9]  }
0xdf: {  	[hbm4b:s3+s2] =	stream.indirect_vreg.scatter [tilespmem:s10], [sflag:$0x6], $0x80, v3, vm0, $0xb8;
	[tilespmem:$0x18200] =	vst v63  }
0xe0: {  	_ = 	snop  }
0xe1: {  	[hbm4b:s4+s2] =	stream.indirect_vreg.scatter [tilespmem:s11], [sflag:$0x6], $0x80, v3, vm0, $0xb8;
	[tilespmem:$0x18200] =	vst v63  }
0xe2: {  	v3 =	vld [tilespmem:$0x130];
	_ =	sdelay $0x4  }
0xe3: {  	v59 =	vshll.u32 v3, $0x2  }
0xe4: {  	v3 =	vand.u32 $0x7, v3;
	v4 =	vand.u32 $0xFFFFFFE0, v59  }
0xe5: {  	v3 =	vor.u32 v3, v4  }
0xe6: {  	v4 =	vperm.xlane v3, v0;
	_ =	sdelay $0x1  }
0xe7: {  	v4 =	vadd.s32 v1, v4;
	_ =	sdelay $0x1  }
0xe8: {  	s10 =	sld [smem:$0x7FA];
	v3 =	vperm.xlane v3, v2;
	_ =	sdelay $0x1  }
0xe9: {  	s11 =	sld [smem:$0x7FB];
	v3 =	vadd.s32 v1, v3  }
0xea: {  	[hbm4b:s3+s2] =	stream.indirect_vreg.scatter [tilespmem:s10], [sflag:$0x6], $0x80, v4, vm0, $0xb8;
	[tilespmem:$0x18200] =	vst v63  }
0xeb: {  	s10 =	sld [smem:$0x7FC]  }
0xec: {  	[hbm4b:s4+s2] =	stream.indirect_vreg.scatter [tilespmem:s11], [sflag:$0x6], $0x80, v4, vm0, $0xb8;
	[tilespmem:$0x18200] =	vst v63  }
0xed: {  	s11 =	sld [smem:$0x7FD]  }
0xee: {  	[hbm4b:s3+s2] =	stream.indirect_vreg.scatter [tilespmem:s10], [sflag:$0x6], $0x80, v3, vm0, $0xb8;
	[tilespmem:$0x18200] =	vst v63  }
0xef: {  	_ = 	snop  }
0xf0: {  	[hbm4b:s4+s2] =	stream.indirect_vreg.scatter [tilespmem:s11], [sflag:$0x6], $0x80, v3, vm0, $0xb8;
	[tilespmem:$0x18200] =	vst v63  }
0xf1: {  	_ =	swait.ge [sflag:s31], $0x8000  }
0xf2: {  	[sflag:s31] =	ssyncset.done $0x0  }
0xf3: {  	s11 =	rddreg [dreg:$0x8];
	[sflag:s31] =	ssyncadd.s32 $0xFFFF8000  }
0xf4: {  	[tilespmem:s9], [sflag:$0x1] =	stream.strided.gather [hbm4b:s11+s7], $0x8000, s8, s7, $0x38;
	[tilespmem:$0x18200] =	vst v63  }
0xf5: {  	_ =	swait.ge [sflag:s12], $0x8000  }
0xf6: {  	[sflag:s12] =	ssyncset.done $0x0  }
0xf7: {  	[sflag:s12] =	ssyncadd.s32 $0xFFFF8000  }
0xf8: {  	v3 =	vld [tilespmem:$0x180];
	_ =	sdelay $0x4  }
0xf9: {  	v60 =	vshll.u32 v3, $0x2  }
0xfa: {  	v3 =	vand.u32 $0x7, v3;
	v4 =	vand.u32 $0xFFFFFFE0, v60  }
0xfb: {  	v3 =	vor.u32 v3, v4  }
0xfc: {  	v4 =	vperm.xlane v3, v0;
	_ =	sdelay $0x1  }
0xfd: {  	v4 =	vadd.s32 v1, v4;
	_ =	sdelay $0x1  }
0xfe: {  	v3 =	vperm.xlane v3, v2;
	_ =	sdelay $0x1  }
0xff: {  	v3 =	vadd.s32 v1, v3  }
0x100: {  	[hbm4b:s3+s2] =	stream.indirect_vreg.scatter [tilespmem:s9], [sflag:$0x4], $0x80, v4, vm0, $0xb8;
	[tilespmem:$0x18200] =	vst v63  }
0x101: {  	_ = 	snop  }
0x102: {  	[hbm4b:s4+s2] =	stream.indirect_vreg.scatter [tilespmem:s15], [sflag:$0x4], $0x80, v4, vm0, $0xb8;
	[tilespmem:$0x18200] =	vst v63  }
0x103: {  	_ = 	snop  }
0x104: {  	[hbm4b:s3+s2] =	stream.indirect_vreg.scatter [tilespmem:s16], [sflag:$0x4], $0x80, v3, vm0, $0xb8;
	[tilespmem:$0x18200] =	vst v63  }
0x105: {  	_ = 	snop  }
0x106: {  	[hbm4b:s4+s2] =	stream.indirect_vreg.scatter [tilespmem:s17], [sflag:$0x4], $0x80, v3, vm0, $0xb8;
	[tilespmem:$0x18200] =	vst v63  }
0x107: {  	v3 =	vld [tilespmem:$0x190];
	_ =	sdelay $0x4  }
0x108: {  	v61 =	vshll.u32 v3, $0x2  }
0x109: {  	v3 =	vand.u32 $0x7, v3;
	v4 =	vand.u32 $0xFFFFFFE0, v61  }
0x10a: {  	v3 =	vor.u32 v3, v4  }
0x10b: {  	v4 =	vperm.xlane v3, v0;
	_ =	sdelay $0x1  }
0x10c: {  	v4 =	vadd.s32 v1, v4;
	_ =	sdelay $0x1  }
0x10d: {  	v3 =	vperm.xlane v3, v2;
	_ =	sdelay $0x1  }
0x10e: {  	v3 =	vadd.s32 v1, v3  }
0x10f: {  	[hbm4b:s3+s2] =	stream.indirect_vreg.scatter [tilespmem:s18], [sflag:$0x4], $0x80, v4, vm0, $0xb8;
	[tilespmem:$0x18200] =	vst v63  }
0x110: {  	_ = 	snop  }
0x111: {  	[hbm4b:s4+s2] =	stream.indirect_vreg.scatter [tilespmem:s19], [sflag:$0x4], $0x80, v4, vm0, $0xb8;
	[tilespmem:$0x18200] =	vst v63  }
0x112: {  	_ = 	snop  }
0x113: {  	[hbm4b:s3+s2] =	stream.indirect_vreg.scatter [tilespmem:s20], [sflag:$0x4], $0x80, v3, vm0, $0xb8;
	[tilespmem:$0x18200] =	vst v63  }
0x114: {  	_ = 	snop  }
0x115: {  	[hbm4b:s4+s2] =	stream.indirect_vreg.scatter [tilespmem:s21], [sflag:$0x4], $0x80, v3, vm0, $0xb8;
	[tilespmem:$0x18200] =	vst v63  }
0x116: {  	v3 =	vld [tilespmem:$0x1A0];
	_ =	sdelay $0x4  }
0x117: {  	v62 =	vshll.u32 v3, $0x2  }
0x118: {  	v3 =	vand.u32 $0x7, v3;
	v4 =	vand.u32 $0xFFFFFFE0, v62  }
0x119: {  	v3 =	vor.u32 v3, v4  }
0x11a: {  	v4 =	vperm.xlane v3, v0;
	_ =	sdelay $0x1  }
0x11b: {  	v4 =	vadd.s32 v1, v4;
	_ =	sdelay $0x1  }
0x11c: {  	v3 =	vperm.xlane v3, v2;
	_ =	sdelay $0x1  }
0x11d: {  	v3 =	vadd.s32 v1, v3  }
0x11e: {  	[hbm4b:s3+s2] =	stream.indirect_vreg.scatter [tilespmem:s22], [sflag:$0x4], $0x80, v4, vm0, $0xb8;
	[tilespmem:$0x18200] =	vst v63  }
0x11f: {  	_ = 	snop  }
0x120: {  	[hbm4b:s4+s2] =	stream.indirect_vreg.scatter [tilespmem:s23], [sflag:$0x4], $0x80, v4, vm0, $0xb8;
	[tilespmem:$0x18200] =	vst v63  }
0x121: {  	_ = 	snop  }
0x122: {  	[hbm4b:s3+s2] =	stream.indirect_vreg.scatter [tilespmem:s24], [sflag:$0x4], $0x80, v3, vm0, $0xb8;
	[tilespmem:$0x18200] =	vst v63  }
0x123: {  	_ = 	snop  }
0x124: {  	[hbm4b:s4+s2] =	stream.indirect_vreg.scatter [tilespmem:s25], [sflag:$0x4], $0x80, v3, vm0, $0xb8;
	[tilespmem:$0x18200] =	vst v63  }
0x125: {  	v3 =	vld [tilespmem:$0x1B0];
	_ =	sdelay $0x4  }
0x126: {  	v63 =	vshll.u32 v3, $0x2  }
0x127: {  	v3 =	vand.u32 $0x7, v3;
	v4 =	vand.u32 $0xFFFFFFE0, v63  }
0x128: {  	v3 =	vor.u32 v3, v4  }
0x129: {  	v4 =	vperm.xlane v3, v0;
	_ =	sdelay $0x1  }
0x12a: {  	v4 =	vadd.s32 v1, v4;
	_ =	sdelay $0x1  }
0x12b: {  	v3 =	vperm.xlane v3, v2;
	_ =	sdelay $0x1  }
0x12c: {  	v3 =	vadd.s32 v1, v3  }
0x12d: {  	[hbm4b:s3+s2] =	stream.indirect_vreg.scatter [tilespmem:s26], [sflag:$0x4], $0x80, v4, vm0, $0xb8;
	[tilespmem:$0x18200] =	vst v63  }
0x12e: {  	_ = 	snop  }
0x12f: {  	[hbm4b:s4+s2] =	stream.indirect_vreg.scatter [tilespmem:s28], [sflag:$0x4], $0x80, v4, vm0, $0xb8;
	[tilespmem:$0x18200] =	vst v63  }
0x130: {  	_ = 	snop  }
0x131: {  	[hbm4b:s3+s2] =	stream.indirect_vreg.scatter [tilespmem:s6], [sflag:$0x4], $0x80, v3, vm0, $0xb8;
	[tilespmem:$0x18200] =	vst v63  }
0x132: {  	_ = 	snop  }
0x133: {  	[hbm4b:s4+s2] =	stream.indirect_vreg.scatter [tilespmem:s29], [sflag:$0x4], $0x80, v3, vm0, $0xb8;
	[tilespmem:$0x18200] =	vst v63  }
0x134: {  	_ =	swait.ge [sflag:s1], $0x8000  }
0x135: {  	[sflag:s1] =	ssyncset.done $0x0  }
0x136: {  	[sflag:s1] =	ssyncadd.s32 $0xFFFF8000  }
0x137: {  	p0 =	sne.s32 s5, $0x1;
	_ =	swait.ge [sflag:s0], $0x8000  }
.Ltmp0:
0x138: {  	[sflag:s0] =	ssyncset.done $0x0;
	(pc) =	sbr.rel @p0 .LBB2_1-.Ltmp0, $4  }
0x139: {  	[sflag:s0] =	ssyncadd.s32 $0xFFFF8000  }
0x13a: {  	_ =	swait.ge [sflag:s31], $0x8000  }
0x13b: {  	[sflag:s31] =	ssyncset.done $0x0  }
0x13c: {  	s5 =	sadd.s32 $0xFFFFFFFF, s5;
	[sflag:s31] =	ssyncadd.s32 $0xFFFF8000  }
0x13d: {  	_ =	sfence.sel $0x180000  }
0x13e: {  	[bflag:$0x0] =	sbarrier.arrive $0xFFFF  }
0x13f: {  	_ =	strace $0x90000047  }
0x140: {  	s0 =	stileid.u32;
	[bflag:$0x2] =	sbarrier.arrive $0xFFFF  }
0x141: {  	p0 =	sne.s32 s0, $0x0;
	s0 =	rddreg [dreg:$0x3]  }
0x142: {  	s0 =	sadd.s32 @!p0 $0x100000, s0  }
0x143: {  	[sflag:s0] =	ssyncadd.tile.s32 @!p0 $0x1;
	_ =	shalt  }
.Lfunc_end2:
_tile_overlayer_lowered:
.L_overlay_start_2:
0x144: {  	(tag) =	ssettag $0x2  }
0x145: {  	s0 =	rddreg [dreg:$0x0];
	s2 =	stileid.u32  }
0x146: {  	s1 =	rddreg [dreg:$0x1];
	p0 =	sne.s32 s2, $0x0  }
0x147: {  	s3 =	rddreg [dreg:$0x2];
	[bflag:$0x3] =	sbarrier.arrive $0xFFFF;
	s2 =	simm.s32 @!p0 $0x1C07  }
0x148: {  	[timem:s3], [sflag:s2] =	dma.local @!p0 [hbm:s0], s1  }
0x149: {  	s0 =	simm.s32 @!p0 $0x7  }
0x14a: {  	_ =	swait.ge @!p0 [sflag:s0], s1  }
0x14b: {  	s1 =	ssub.s32 @!p0 $0x0, s1;
	[sflag:s0] =	ssyncset.done @!p0 $0x0  }
0x14c: {  	[sflag:s0] =	ssyncadd.s32 @!p0 s1  }
0x14d: {  	[bflag:$0x3] =	sbarrier.arrive $0xFFFF  }
0x14e: {  	_ =	shalt  }

</sc_bundles>
